<compile_context>
chip_gen: v7x
topology: tpu7x:2x2x1
jax: 0.10.2.dev20260603
libtpu: 0.0.44.dev20260713+nightly
codegen_flags: <defaults>
</compile_context>

<pallas_src>
import functools

import jax
import jax.numpy as jnp
from jax.experimental import pallas as pl
from jax.experimental.pallas import tpu as pltpu
from jax.experimental.pallas import tpu_sc as plsc

_BETA = 0.25
_BC = 2048
_GW = 128


def _argmin_body(a_ref, x_ref, cb_ref, b_ref, idx_ref, rmin_ref, raux_ref,
                 *, nt, nc, bc):
    j = pl.program_id(0)
    ng = bc // 128

    @pl.when(j == 0)
    def _():
        rmin_ref[...] = jnp.full((nt, 128), jnp.inf, jnp.float32)
        raux_ref[...] = jnp.zeros((nt, 128), jnp.int32)

    m2 = jax.lax.dot_general(
        x_ref[...], cb_ref[...], (((1,), (1,)), ((), ())),
        precision=jax.lax.Precision.DEFAULT,
        preferred_element_type=jnp.float32)
    a = a_ref[...]
    heap = []
    for g in range(ng):
        sl = slice(g * 128, (g + 1) * 128)
        d = (a - m2[:, sl]) + b_ref[:, sl]
        heap.append((d, j * ng + g))
    while len(heap) > 1:
        nxt = []
        for p in range(0, len(heap), 2):
            (va, ga), (vb, gb) = heap[p], heap[p + 1]
            pred = vb < va
            nxt.append((jnp.where(pred, vb, va), jnp.where(pred, gb, ga)))
        heap = nxt
    val, gid = heap[0]
    pred = val < rmin_ref[...]
    rmin_ref[...] = jnp.where(pred, val, rmin_ref[...])
    raux_ref[...] = jnp.where(pred, gid, raux_ref[...])

    @pl.when(j == nc // bc - 1)
    def _():
        rmin = rmin_ref[...]
        gmin = jnp.min(rmin, axis=1, keepdims=True)
        col = (raux_ref[...] * 128
               + jax.lax.broadcasted_iota(jnp.int32, (nt, 128), 1))
        cand = jnp.where(rmin == gmin, col, nc)
        idx_ref[...] = jnp.min(cand, axis=1, keepdims=True)


def _sc_gather(cb_pad, idx_row, nt):
    mesh = plsc.VectorSubcoreMesh(core_axis_name="core",
                                  subcore_axis_name="subcore")
    w = cb_pad.shape[1]

    @pl.kernel(out_type=jax.ShapeDtypeStruct((nt, w), cb_pad.dtype),
               mesh=mesh)
    def gk(cb_hbm, i_hbm, o_hbm):
        def body(i_vmem, o_vmem):
            pltpu.sync_copy(cb_hbm.at[i_vmem.at[0]], o_vmem)

        pltpu.emit_pipeline(
            body,
            grid=(nt // _GW,),
            in_specs=[pl.BlockSpec((1, _GW), index_map=lambda i: (0, i))],
            out_specs=[pl.BlockSpec((_GW, w), index_map=lambda i: (i, 0))],
            core_axis_name=("core", "subcore"),
            dimension_semantics=(pltpu.PARALLEL,),
        )(i_hbm, o_hbm)

    return gk(cb_pad, idx_row)


def _finish_body(x_ref, q_ref, qst_ref, loss_ref):
    x = x_ref[...]
    q = q_ref[:, :x_ref.shape[1]]
    qst_ref[...] = x + (q - x)
    diff = x - q
    msq = jnp.mean(diff * diff)
    loss_ref[...] = jnp.full((1, 1), _BETA * msq + msq, jnp.float32)


def kernel(latent, codebook):
    B, S, D = latent.shape
    nt = B * S
    nc = codebook.shape[0]
    bc = _BC
    flat = latent.reshape(-1, D)
    a = jnp.sum(flat ** 2, axis=1, keepdims=True)
    b = jnp.sum(codebook ** 2, axis=1).reshape(1, nc)
    grid = (nc // bc,)

    idx = pl.pallas_call(
        functools.partial(_argmin_body, nt=nt, nc=nc, bc=bc),
        grid=grid,
        in_specs=[
            pl.BlockSpec((nt, 1), lambda j: (0, 0)),
            pl.BlockSpec((nt, D), lambda j: (0, 0)),
            pl.BlockSpec((bc, D), lambda j: (j, 0)),
            pl.BlockSpec((1, bc), lambda j: (0, j)),
        ],
        out_specs=pl.BlockSpec((nt, 1), lambda j: (0, 0)),
        out_shape=jax.ShapeDtypeStruct((nt, 1), jnp.int32),
        scratch_shapes=[pltpu.VMEM((nt, 128), jnp.float32),
                        pltpu.VMEM((nt, 128), jnp.int32)],
    )(a, 2.0 * flat, codebook, b)

    cb_pad = jnp.pad(codebook, ((0, 0), (0, 128 - D)))
    q = _sc_gather(cb_pad, idx.reshape(1, nt), nt)

    qst, loss = pl.pallas_call(
        _finish_body,
        in_specs=[
            pl.BlockSpec((nt, D), lambda: (0, 0)),
            pl.BlockSpec((nt, 128), lambda: (0, 0)),
        ],
        out_specs=[pl.BlockSpec((nt, D), lambda: (0, 0)),
                   pl.BlockSpec((1, 1), lambda: (0, 0))],
        out_shape=[jax.ShapeDtypeStruct((nt, D), jnp.float32),
                   jax.ShapeDtypeStruct((1, 1), jnp.float32)],
    )(flat, q)

    return (qst.reshape(B, S, D), loss.reshape(()), idx.reshape(nt))

# --- scband reference (transcript-rebuilt; emitter-appended) ---
"""Pipeline reference for scband-vector-quantizer-37383395344398 (READ-ONLY COPY).

The authoritative reference and input builder live on the scoring server;
editing this copy changes nothing except your own understanding.
"""

import jax, jax.numpy as jnp
import numpy as np

NUM_TOKENS = 8192
LATENT_DIM = 32
BETA = 0.25
TEMP = 1.0


def setup_inputs(seed: int = 0) -> dict:
    key = jax.random.key(seed)
    k1, k2 = jax.random.split(key)
    latent = jax.random.normal(k1, (4, 1024, LATENT_DIM), dtype=jnp.float32)
    codebook = jax.random.uniform(
        k2, (NUM_TOKENS, LATENT_DIM),
        minval=-1.0 / NUM_TOKENS, maxval=1.0 / NUM_TOKENS, dtype=jnp.float32)
    return {"latent": latent, "codebook": codebook}


def reference(latent, codebook):
    B, S, D = latent.shape
    flat_input = latent.reshape(-1, D)
    distances = (jnp.sum(flat_input ** 2, axis=1, keepdims=True)
                 - 2.0 * jnp.matmul(flat_input, codebook.T)
                 + jnp.sum(codebook ** 2, axis=1))
    scaled_distances = distances / max(TEMP, 1e-05)
    soft_assign = jax.nn.softmax(-scaled_distances, axis=-1)
    indices = jnp.argmax(soft_assign, axis=-1)
    hard_assign = jax.nn.one_hot(indices, NUM_TOKENS, dtype=jnp.float32)
    assign = hard_assign + soft_assign - jax.lax.stop_gradient(soft_assign)
    quantized = jnp.matmul(assign, codebook)
    quantized = quantized.reshape(B, S, D)
    commitment_loss = BETA * jnp.mean((jax.lax.stop_gradient(latent) - quantized) ** 2)
    codebook_loss = jnp.mean((latent - jax.lax.stop_gradient(quantized)) ** 2)
    quantized_st = latent + jax.lax.stop_gradient(quantized - latent)
    total_loss = commitment_loss + codebook_loss
    return (quantized_st, total_loss, indices)

if __name__ == "__main__":
    import jax
    _d = setup_inputs()
    print(jax.jit(kernel)(*tuple(_d.values())))

</pallas_src>

<mosaic_0001>
#map = affine_map<(d0, d1) -> (0, 0)>
module attributes {stable_mosaic.version = 14 : i64} {
  func.func @gk(%arg0: i32, %arg1: i32, %arg2: memref<8192x128xf32, #tpu.memory_space<hbm>>, %arg3: memref<1x4096xi32, #tpu.memory_space<hbm>>, %arg4: memref<4096x128xf32, #tpu.memory_space<hbm>>) attributes {dimension_semantics = [#tpu.dimension_semantics<core_parallel>, #tpu.dimension_semantics<subcore_parallel>], iteration_bounds = array<i64: 2, 16>, scalar_prefetch = 0 : i64, scratch_operands = 0 : i64, tpu.core_type = #tpu.core_type<sc_vector_subcore>, window_params = [{transform_indices = #map}, {transform_indices = #map}, {transform_indices = #map}]} {
    %mul3A = arith.constant 1 : i32
    %mul3A_0 = arith.muli %arg1, %mul3A : i32
    %add3A = arith.constant 0 : i32
    %add3A_1 = arith.addi %add3A, %mul3A_0 : i32
    %mul3A_2 = arith.constant 16 : i32
    %mul3A_3 = arith.muli %arg0, %mul3A_2 : i32
    %add3A_4 = arith.addi %add3A_1, %mul3A_3 : i32
    %mul3A_5 = arith.constant 1 : i32
    %mul3A_6 = arith.muli %add3A_4, %mul3A_5 : i32
    "tpu.region"() ({
      %run_scoped3A = memref.alloca() : memref<2x1x128xi32, #tpu.memory_space<vmem>>
      %run_scoped3A_7 = tpu.sem_alloc : memref<2x!tpu.dma_semaphore, #tpu.memory_space<semaphore_mem>>
      %run_scoped3A_8 = memref.alloca() : memref<2x128x128xf32, #tpu.memory_space<vmem>>
      %run_scoped3A_9 = tpu.sem_alloc : memref<2x!tpu.dma_semaphore, #tpu.memory_space<semaphore_mem>>
      %add3A_10 = arith.constant 0 : i32
      %add3A_11 = arith.addi %add3A_10, %mul3A_6 : i32
      %select_n3A = arith.constant true
      %select_n3A_12 = arith.constant 0 : i32
      %select_n3A_13 = arith.constant -1 : i32
      %select_n3A_14 = arith.select %select_n3A, %select_n3A_13, %select_n3A_12 : i32
      %eq3A = arith.constant -1 : i32
      %eq3A_15 = arith.cmpi eq, %select_n3A_14, %eq3A : i32
      %select_n3A_16 = arith.constant 0 : i32
      %select_n3A_17 = arith.select %eq3A_15, %select_n3A_16, %select_n3A_14 : i32
      %add3A_18 = arith.constant 0 : i32
      %add3A_19 = arith.addi %add3A_18, %mul3A_6 : i32
      %select_n3A_20 = arith.constant true
      %select_n3A_21 = arith.constant 0 : i32
      %select_n3A_22 = arith.constant 1 : i32
      %select_n3A_23 = arith.select %select_n3A_20, %select_n3A_22, %select_n3A_21 : i32
      %eq3A_24 = arith.constant 1 : i32
      %eq3A_25 = arith.cmpi eq, %select_n3A_23, %eq3A_24 : i32
      %select_n3A_26 = arith.constant 0 : i32
      %select_n3A_27 = arith.select %eq3A_25, %select_n3A_26, %select_n3A_23 : i32
      %add3A_28 = arith.constant 0 : i32
      %add3A_29 = arith.addi %add3A_28, %mul3A_6 : i32
      %select_n3A_30 = arith.constant true
      %select_n3A_31 = arith.constant 0 : i32
      %select_n3A_32 = arith.constant 1 : i32
      %select_n3A_33 = arith.select %select_n3A_30, %select_n3A_32, %select_n3A_31 : i32
      %eq3A_34 = arith.constant 1 : i32
      %eq3A_35 = arith.cmpi eq, %select_n3A_33, %eq3A_34 : i32
      %select_n3A_36 = arith.constant 0 : i32
      %select_n3A_37 = arith.select %eq3A_35, %select_n3A_36, %select_n3A_33 : i32
      %add3A_38 = arith.constant 0 : i32
      %add3A_39 = arith.addi %add3A_38, %mul3A_6 : i32
      "tpu.trace_start"() <{level = 10 : i32, message = "ep_initialize_0"}> : () -> ()
      %rem3A = arith.constant 0 : i32
      %rem3A_40 = arith.constant 2 : i32
      %rem3A_41 = arith.remui %rem3A, %rem3A_40 : i32
      %mul3A_42 = arith.constant 128 : i32
      %mul3A_43 = arith.muli %mul3A_42, %add3A_11 : i32
      %dma_start3A = arith.constant 0 : i32
      %dma_start3A_44 = arith.constant 0 : i32
      %dma_start3A_45 = tpu.memref_slice %run_scoped3A[%rem3A_41, %dma_start3A, %dma_start3A_44] : memref<2x1x128xi32, #tpu.memory_space<vmem>> -> memref<1x1x128xi32, #tpu.memory_space<vmem>>
      %dma_start3A_46 = tpu.memref_squeeze %dma_start3A_45 : memref<1x1x128xi32, #tpu.memory_space<vmem>> -> memref<1x128xi32, #tpu.memory_space<vmem>>
      %dma_start3A_47 = arith.constant 0 : i32
      %dma_start3A_48 = tpu.memref_slice %arg3[%dma_start3A_47, %mul3A_43] : memref<1x4096xi32, #tpu.memory_space<hbm>> -> memref<1x128xi32, #tpu.memory_space<hbm>>
      %dma_start3A_49 = tpu.memref_slice %run_scoped3A_7[%rem3A_41] : memref<2x!tpu.dma_semaphore, #tpu.memory_space<semaphore_mem>> -> memref<1x!tpu.dma_semaphore, #tpu.memory_space<semaphore_mem>>
      %dma_start3A_50 = tpu.memref_squeeze %dma_start3A_49 : memref<1x!tpu.dma_semaphore, #tpu.memory_space<semaphore_mem>> -> memref<!tpu.dma_semaphore, #tpu.memory_space<semaphore_mem>>
      %dma_start3A_51 = arith.constant 0 : i32
      %dma_start3A_52 = arith.constant 0 : i32
      %dma_start3A_53 = tpu.memref_slice %run_scoped3A[%rem3A_41, %dma_start3A_51, %dma_start3A_52] : memref<2x1x128xi32, #tpu.memory_space<vmem>> -> memref<1x1x128xi32, #tpu.memory_space<vmem>>
      %dma_start3A_54 = tpu.memref_squeeze %dma_start3A_53 : memref<1x1x128xi32, #tpu.memory_space<vmem>> -> memref<1x128xi32, #tpu.memory_space<vmem>>
      %dma_start3A_55 = arith.constant 0 : i32
      %dma_start3A_56 = tpu.memref_slice %arg3[%dma_start3A_55, %mul3A_43] : memref<1x4096xi32, #tpu.memory_space<hbm>> -> memref<1x128xi32, #tpu.memory_space<hbm>>
      tpu.enqueue_dma source(%dma_start3A_56 : memref<1x128xi32, #tpu.memory_space<hbm>>) target(%dma_start3A_54 : memref<1x128xi32, #tpu.memory_space<vmem>>) target_semaphore(%dma_start3A_50 : memref<!tpu.dma_semaphore, #tpu.memory_space<semaphore_mem>>)
      %add3A_57 = arith.constant 0 : i32
      %add3A_58 = arith.constant 1 : i32
      %add3A_59 = arith.addi %add3A_57, %add3A_58 : i32
      %select_n3A_60 = arith.constant true
      %select_n3A_61 = arith.constant 0 : i32
      %select_n3A_62 = arith.select %select_n3A_60, %add3A_59, %select_n3A_61 : i32
      "tpu.trace_stop"() : () -> ()
      %scan3A = arith.constant 0 : i32
      %scan3A_63 = arith.constant 0 : i32
      %scan3A_64 = arith.constant 0 : i32
      %scan3A_65 = arith.constant 0 : i32
      %scan3A_66 = arith.constant 0 : i32
      %eq3A_67 = arith.constant 0 : i32
      %eq3A_68 = arith.cmpi eq, %scan3A_66, %eq3A_67 : i32
      %eq3A_69 = arith.constant 0 : i32
      %eq3A_70 = arith.cmpi eq, %scan3A_66, %eq3A_69 : i32
      %add3A_71 = arith.constant 0 : i32
      %add3A_72 = arith.addi %add3A_71, %mul3A_6 : i32
      %select_n3A_73 = arith.constant true
      %select_n3A_74 = arith.constant 0 : i32
      %select_n3A_75 = arith.constant -1 : i32
      %select_n3A_76 = arith.select %select_n3A_73, %select_n3A_75, %select_n3A_74 : i32
      %eq3A_77 = arith.constant -1 : i32
      %eq3A_78 = arith.cmpi eq, %select_n3A_76, %eq3A_77 : i32
      %select_n3A_79 = arith.constant 0 : i32
      %select_n3A_80 = arith.select %eq3A_78, %select_n3A_79, %select_n3A_76 : i32
      %add3A_81 = arith.constant 0 : i32
      %add3A_82 = arith.addi %add3A_81, %mul3A_6 : i32
      %select_n3A_83 = arith.constant true
      %select_n3A_84 = arith.constant 0 : i32
      %select_n3A_85 = arith.constant 1 : i32
      %select_n3A_86 = arith.select %select_n3A_83, %select_n3A_85, %select_n3A_84 : i32
      %eq3A_87 = arith.constant 1 : i32
      %eq3A_88 = arith.cmpi eq, %select_n3A_86, %eq3A_87 : i32
      %select_n3A_89 = arith.constant 0 : i32
      %select_n3A_90 = arith.select %eq3A_88, %select_n3A_89, %select_n3A_86 : i32
      %add3A_91 = arith.constant 0 : i32
      %add3A_92 = arith.addi %add3A_91, %mul3A_6 : i32
      %select_n3A_93 = arith.constant true
      %select_n3A_94 = arith.constant 0 : i32
      %select_n3A_95 = arith.constant 1 : i32
      %select_n3A_96 = arith.select %select_n3A_93, %select_n3A_95, %select_n3A_94 : i32
      %eq3A_97 = arith.constant 1 : i32
      %eq3A_98 = arith.cmpi eq, %select_n3A_96, %eq3A_97 : i32
      %select_n3A_99 = arith.constant 0 : i32
      %select_n3A_100 = arith.select %eq3A_98, %select_n3A_99, %select_n3A_96 : i32
      %add3A_101 = arith.constant 0 : i32
      %add3A_102 = arith.addi %add3A_101, %mul3A_6 : i32
      %ne3A = arith.cmpi ne, %add3A_72, %add3A_92 : i32
      %or3A = arith.constant false
      %or3A_103 = arith.ori %or3A, %ne3A : i1
      %ge3A = arith.constant 0 : i32
      %ge3A_104 = arith.cmpi sge, %scan3A_66, %ge3A : i32
      %not3A = arith.constant true
      %not3A_105 = arith.xori %ge3A_104, %not3A : i1
      %and3A = arith.andi %or3A_103, %not3A_105 : i1
      %convert_element_type3A = arith.extui %and3A : i1 to i32
      %cond3A = arith.constant 0 : i32
      %cond3A_106 = arith.cmpi ne, %convert_element_type3A, %cond3A : i32
      scf.if %cond3A_106 {
        "tpu.trace_start"() <{level = 10 : i32, message = "ep_copy_in"}> : () -> ()
        %rem3A_266 = arith.constant 2 : i32
        %rem3A_267 = arith.remui %select_n3A_62, %rem3A_266 : i32
        %mul3A_268 = arith.constant 128 : i32
        %mul3A_269 = arith.muli %mul3A_268, %add3A_92 : i32
        %dma_start3A_270 = arith.constant 0 : i32
        %dma_start3A_271 = arith.constant 0 : i32
        %dma_start3A_272 = tpu.memref_slice %run_scoped3A[%rem3A_267, %dma_start3A_270, %dma_start3A_271] : memref<2x1x128xi32, #tpu.memory_space<vmem>> -> memref<1x1x128xi32, #tpu.memory_space<vmem>>
        %dma_start3A_273 = tpu.memref_squeeze %dma_start3A_272 : memref<1x1x128xi32, #tpu.memory_space<vmem>> -> memref<1x128xi32, #tpu.memory_space<vmem>>
        %dma_start3A_274 = arith.constant 0 : i32
        %dma_start3A_275 = tpu.memref_slice %arg3[%dma_start3A_274, %mul3A_269] : memref<1x4096xi32, #tpu.memory_space<hbm>> -> memref<1x128xi32, #tpu.memory_space<hbm>>
        %dma_start3A_276 = tpu.memref_slice %run_scoped3A_7[%rem3A_267] : memref<2x!tpu.dma_semaphore, #tpu.memory_space<semaphore_mem>> -> memref<1x!tpu.dma_semaphore, #tpu.memory_space<semaphore_mem>>
        %dma_start3A_277 = tpu.memref_squeeze %dma_start3A_276 : memref<1x!tpu.dma_semaphore, #tpu.memory_space<semaphore_mem>> -> memref<!tpu.dma_semaphore, #tpu.memory_space<semaphore_mem>>
        %dma_start3A_278 = arith.constant 0 : i32
        %dma_start3A_279 = arith.constant 0 : i32
        %dma_start3A_280 = tpu.memref_slice %run_scoped3A[%rem3A_267, %dma_start3A_278, %dma_start3A_279] : memref<2x1x128xi32, #tpu.memory_space<vmem>> -> memref<1x1x128xi32, #tpu.memory_space<vmem>>
        %dma_start3A_281 = tpu.memref_squeeze %dma_start3A_280 : memref<1x1x128xi32, #tpu.memory_space<vmem>> -> memref<1x128xi32, #tpu.memory_space<vmem>>
        %dma_start3A_282 = arith.constant 0 : i32
        %dma_start3A_283 = tpu.memref_slice %arg3[%dma_start3A_282, %mul3A_269] : memref<1x4096xi32, #tpu.memory_space<hbm>> -> memref<1x128xi32, #tpu.memory_space<hbm>>
        tpu.enqueue_dma source(%dma_start3A_283 : memref<1x128xi32, #tpu.memory_space<hbm>>) target(%dma_start3A_281 : memref<1x128xi32, #tpu.memory_space<vmem>>) target_semaphore(%dma_start3A_277 : memref<!tpu.dma_semaphore, #tpu.memory_space<semaphore_mem>>)
        "tpu.trace_stop"() : () -> ()
      } else {
      }
      %and3A_107 = arith.constant true
      %and3A_108 = arith.andi %and3A, %and3A_107 : i1
      %add3A_109 = arith.constant 1 : i32
      %add3A_110 = arith.addi %select_n3A_62, %add3A_109 : i32
      %select_n3A_111 = arith.select %and3A_108, %add3A_110, %select_n3A_62 : i32
      %ne3A_112 = arith.cmpi ne, %add3A_72, %add3A_92 : i32
      %or3A_113 = arith.constant false
      %or3A_114 = arith.ori %or3A_113, %ne3A_112 : i1
      %or3A_115 = arith.constant false
      %or3A_116 = arith.ori %or3A_114, %or3A_115 : i1
      %ge3A_117 = arith.constant 0 : i32
      %ge3A_118 = arith.cmpi sge, %scan3A_66, %ge3A_117 : i32
      %not3A_119 = arith.constant true
      %not3A_120 = arith.xori %ge3A_118, %not3A_119 : i1
      %and3A_121 = arith.andi %or3A_116, %not3A_120 : i1
      %ne3A_122 = arith.cmpi ne, %add3A_72, %add3A_82 : i32
      %or3A_123 = arith.constant false
      %or3A_124 = arith.ori %or3A_123, %ne3A_122 : i1
      %or3A_125 = arith.ori %or3A_124, %eq3A_68 : i1
      %convert_element_type3A_126 = arith.extui %or3A_125 : i1 to i32
      %cond3A_127 = arith.constant 0 : i32
      %cond3A_128 = arith.cmpi ne, %convert_element_type3A_126, %cond3A_127 : i32
      scf.if %cond3A_128 {
        "tpu.trace_start"() <{level = 10 : i32, message = "ep_wait_in"}> : () -> ()
        %mul3A_266 = arith.constant 128 : i32
        %mul3A_267 = arith.muli %mul3A_266, %add3A_72 : i32
        %rem3A_268 = arith.constant 2 : i32
        %rem3A_269 = arith.remui %scan3A, %rem3A_268 : i32
        %dma_wait3A_270 = arith.constant 0 : i32
        %dma_wait3A_271 = arith.constant 0 : i32
        %dma_wait3A_272 = tpu.memref_slice %run_scoped3A[%rem3A_269, %dma_wait3A_270, %dma_wait3A_271] : memref<2x1x128xi32, #tpu.memory_space<vmem>> -> memref<1x1x128xi32, #tpu.memory_space<vmem>>
        %dma_wait3A_273 = tpu.memref_squeeze %dma_wait3A_272 : memref<1x1x128xi32, #tpu.memory_space<vmem>> -> memref<1x128xi32, #tpu.memory_space<vmem>>
        %dma_wait3A_274 = arith.constant 0 : i32
        %dma_wait3A_275 = tpu.memref_slice %arg3[%dma_wait3A_274, %mul3A_267] : memref<1x4096xi32, #tpu.memory_space<hbm>> -> memref<1x128xi32, #tpu.memory_space<hbm>>
        %dma_wait3A_276 = tpu.memref_slice %run_scoped3A_7[%rem3A_269] : memref<2x!tpu.dma_semaphore, #tpu.memory_space<semaphore_mem>> -> memref<1x!tpu.dma_semaphore, #tpu.memory_space<semaphore_mem>>
        %dma_wait3A_277 = tpu.memref_squeeze %dma_wait3A_276 : memref<1x!tpu.dma_semaphore, #tpu.memory_space<semaphore_mem>> -> memref<!tpu.dma_semaphore, #tpu.memory_space<semaphore_mem>>
        %dma_wait3A_278 = arith.constant 0 : i32
        %dma_wait3A_279 = arith.constant 0 : i32
        %dma_wait3A_280 = tpu.memref_slice %run_scoped3A[%rem3A_269, %dma_wait3A_278, %dma_wait3A_279] : memref<2x1x128xi32, #tpu.memory_space<vmem>> -> memref<1x1x128xi32, #tpu.memory_space<vmem>>
        %dma_wait3A_281 = tpu.memref_squeeze %dma_wait3A_280 : memref<1x1x128xi32, #tpu.memory_space<vmem>> -> memref<1x128xi32, #tpu.memory_space<vmem>>
        %dma_wait3A_282 = arith.constant 0 : i32
        %dma_wait3A_283 = tpu.memref_slice %arg3[%dma_wait3A_282, %mul3A_267] : memref<1x4096xi32, #tpu.memory_space<hbm>> -> memref<1x128xi32, #tpu.memory_space<hbm>>
        tpu.wait_dma2 semaphore(%dma_wait3A_277 : memref<!tpu.dma_semaphore, #tpu.memory_space<semaphore_mem>>) src(%dma_wait3A_283 : memref<1x128xi32, #tpu.memory_space<hbm>>) dst(%dma_wait3A_281 : memref<1x128xi32, #tpu.memory_space<vmem>>)
        "tpu.trace_stop"() : () -> ()
      } else {
      }
      %ne3A_129 = arith.cmpi ne, %add3A_72, %add3A_82 : i32
      %or3A_130 = arith.constant false
      %or3A_131 = arith.ori %or3A_130, %ne3A_129 : i1
      %or3A_132 = arith.constant false
      %or3A_133 = arith.ori %or3A_131, %or3A_132 : i1
      %or3A_134 = arith.ori %or3A_133, %eq3A_68 : i1
      %convert_element_type3A_135 = arith.extui %or3A_134 : i1 to i32
      %cond3A_136 = arith.constant 0 : i32
      %cond3A_137 = arith.cmpi ne, %convert_element_type3A_135, %cond3A_136 : i32
      scf.if %cond3A_137 {
      } else {
      }
      %rem3A_138 = arith.constant 2 : i32
      %rem3A_139 = arith.remui %scan3A, %rem3A_138 : i32
      %rem3A_140 = arith.constant 2 : i32
      %rem3A_141 = arith.remui %scan3A_63, %rem3A_140 : i32
      %run_scoped3A_142 = arith.constant 0 : i32
      "tpu.trace_start"() <{level = 10 : i32, message = "ep_run_kernel"}> : () -> ()
      "tpu.region"() ({
        %run_scoped3A_266 = tpu.sem_alloc : memref<!tpu.dma_semaphore, #tpu.memory_space<semaphore_mem>>
        %dma_start3A_267 = arith.constant 0 : i32
        %dma_start3A_268 = arith.constant 0 : i32
        %dma_start3A_269 = tpu.memref_slice %run_scoped3A_8[%rem3A_141, %dma_start3A_267, %dma_start3A_268] : memref<2x128x128xf32, #tpu.memory_space<vmem>> -> memref<1x128x128xf32, #tpu.memory_space<vmem>>
        %dma_start3A_270 = tpu.memref_squeeze %dma_start3A_269 : memref<1x128x128xf32, #tpu.memory_space<vmem>> -> memref<128x128xf32, #tpu.memory_space<vmem>>
        %dma_start3A_271 = arith.constant 0 : i32
        %dma_start3A_272 = arith.constant 0 : i32
        %dma_start3A_273 = tpu.memref_slice %run_scoped3A[%rem3A_139, %dma_start3A_271, %dma_start3A_272] : memref<2x1x128xi32, #tpu.memory_space<vmem>> -> memref<1x1x128xi32, #tpu.memory_space<vmem>>
        %dma_start3A_274 = tpu.memref_squeeze %dma_start3A_273 : memref<1x1x128xi32, #tpu.memory_space<vmem>> -> memref<1x128xi32, #tpu.memory_space<vmem>>
        %dma_start3A_275 = arith.constant 0 : i32
        %dma_start3A_276 = tpu.memref_slice %dma_start3A_274[%run_scoped3A_142, %dma_start3A_275] : memref<1x128xi32, #tpu.memory_space<vmem>> -> memref<1x128xi32, #tpu.memory_space<vmem>>
        %dma_start3A_277 = tpu.memref_squeeze %dma_start3A_276 : memref<1x128xi32, #tpu.memory_space<vmem>> -> memref<128xi32, #tpu.memory_space<vmem>>
        %dma_start3A_278 = arith.constant 0 : i32
        %dma_start3A_279 = arith.constant 0 : i32
        %dma_start3A_280 = tpu.memref_slice %arg2[%dma_start3A_278, %dma_start3A_279] : memref<8192x128xf32, #tpu.memory_space<hbm>> -> memref<8192x128xf32, #tpu.memory_space<hbm>>
        tpu.enqueue_indirect_dma source(%dma_start3A_280 : memref<8192x128xf32, #tpu.memory_space<hbm>>) target(%dma_start3A_270 : memref<128x128xf32, #tpu.memory_space<vmem>>) offsets(%dma_start3A_277 : memref<128xi32, #tpu.memory_space<vmem>>) semaphore(%run_scoped3A_266 : memref<!tpu.dma_semaphore, #tpu.memory_space<semaphore_mem>>)
        %dma_wait3A_281 = arith.constant 0 : i32
        %dma_wait3A_282 = arith.constant 0 : i32
        %dma_wait3A_283 = tpu.memref_slice %run_scoped3A_8[%rem3A_141, %dma_wait3A_281, %dma_wait3A_282] : memref<2x128x128xf32, #tpu.memory_space<vmem>> -> memref<1x128x128xf32, #tpu.memory_space<vmem>>
        %dma_wait3A_284 = tpu.memref_squeeze %dma_wait3A_283 : memref<1x128x128xf32, #tpu.memory_space<vmem>> -> memref<128x128xf32, #tpu.memory_space<vmem>>
        %dma_wait3A_285 = arith.constant 0 : i32
        %dma_wait3A_286 = arith.constant 0 : i32
        %dma_wait3A_287 = tpu.memref_slice %run_scoped3A[%rem3A_139, %dma_wait3A_285, %dma_wait3A_286] : memref<2x1x128xi32, #tpu.memory_space<vmem>> -> memref<1x1x128xi32, #tpu.memory_space<vmem>>
        %dma_wait3A_288 = tpu.memref_squeeze %dma_wait3A_287 : memref<1x1x128xi32, #tpu.memory_space<vmem>> -> memref<1x128xi32, #tpu.memory_space<vmem>>
        %dma_wait3A_289 = arith.constant 0 : i32
        %dma_wait3A_290 = tpu.memref_slice %dma_wait3A_288[%run_scoped3A_142, %dma_wait3A_289] : memref<1x128xi32, #tpu.memory_space<vmem>> -> memref<1x128xi32, #tpu.memory_space<vmem>>
        %dma_wait3A_291 = tpu.memref_squeeze %dma_wait3A_290 : memref<1x128xi32, #tpu.memory_space<vmem>> -> memref<128xi32, #tpu.memory_space<vmem>>
        %dma_wait3A_292 = arith.constant 0 : i32
        %dma_wait3A_293 = arith.constant 0 : i32
        %dma_wait3A_294 = tpu.memref_slice %arg2[%dma_wait3A_292, %dma_wait3A_293] : memref<8192x128xf32, #tpu.memory_space<hbm>> -> memref<8192x128xf32, #tpu.memory_space<hbm>>
        tpu.wait_indirect_dma semaphore(%run_scoped3A_266 : memref<!tpu.dma_semaphore, #tpu.memory_space<semaphore_mem>>) src(%dma_wait3A_294 : memref<8192x128xf32, #tpu.memory_space<hbm>>) dst(%dma_wait3A_284 : memref<128x128xf32, #tpu.memory_space<vmem>>)
        tpu.yield
      }) : () -> ()
      "tpu.trace_stop"() : () -> ()
      %ne3A_143 = arith.cmpi ne, %add3A_72, %add3A_92 : i32
      %or3A_144 = arith.constant false
      %or3A_145 = arith.ori %or3A_144, %ne3A_143 : i1
      %or3A_146 = arith.ori %or3A_145, %eq3A_70 : i1
      %convert_element_type3A_147 = arith.extui %or3A_146 : i1 to i32
      %cond3A_148 = arith.constant 0 : i32
      %cond3A_149 = arith.cmpi ne, %convert_element_type3A_147, %cond3A_148 : i32
      scf.if %cond3A_149 {
      } else {
      }
      %and3A_150 = arith.constant false
      %and3A_151 = arith.andi %or3A_146, %and3A_150 : i1
      %ne3A_152 = arith.cmpi ne, %add3A_72, %add3A_92 : i32
      %or3A_153 = arith.constant false
      %or3A_154 = arith.ori %or3A_153, %ne3A_152 : i1
      %or3A_155 = arith.constant false
      %or3A_156 = arith.ori %or3A_154, %or3A_155 : i1
      %or3A_157 = arith.ori %or3A_156, %eq3A_70 : i1
      %convert_element_type3A_158 = arith.extui %or3A_157 : i1 to i32
      %cond3A_159 = arith.constant 0 : i32
      %cond3A_160 = arith.cmpi ne, %convert_element_type3A_158, %cond3A_159 : i32
      scf.if %cond3A_160 {
        "tpu.trace_start"() <{level = 10 : i32, message = "ep_copy_out"}> : () -> ()
        %rem3A_266 = arith.constant 2 : i32
        %rem3A_267 = arith.remui %scan3A_63, %rem3A_266 : i32
        %mul3A_268 = arith.constant 128 : i32
        %mul3A_269 = arith.muli %mul3A_268, %add3A_72 : i32
        %dma_start3A_270 = arith.constant 0 : i32
        %dma_start3A_271 = arith.constant 0 : i32
        %dma_start3A_272 = tpu.memref_slice %run_scoped3A_8[%rem3A_267, %dma_start3A_270, %dma_start3A_271] : memref<2x128x128xf32, #tpu.memory_space<vmem>> -> memref<1x128x128xf32, #tpu.memory_space<vmem>>
        %dma_start3A_273 = tpu.memref_squeeze %dma_start3A_272 : memref<1x128x128xf32, #tpu.memory_space<vmem>> -> memref<128x128xf32, #tpu.memory_space<vmem>>
        %dma_start3A_274 = arith.constant 0 : i32
        %dma_start3A_275 = tpu.memref_slice %arg4[%mul3A_269, %dma_start3A_274] : memref<4096x128xf32, #tpu.memory_space<hbm>> -> memref<128x128xf32, #tpu.memory_space<hbm>>
        %dma_start3A_276 = tpu.memref_slice %run_scoped3A_9[%rem3A_267] : memref<2x!tpu.dma_semaphore, #tpu.memory_space<semaphore_mem>> -> memref<1x!tpu.dma_semaphore, #tpu.memory_space<semaphore_mem>>
        %dma_start3A_277 = tpu.memref_squeeze %dma_start3A_276 : memref<1x!tpu.dma_semaphore, #tpu.memory_space<semaphore_mem>> -> memref<!tpu.dma_semaphore, #tpu.memory_space<semaphore_mem>>
        %dma_start3A_278 = arith.constant 0 : i32
        %dma_start3A_279 = tpu.memref_slice %arg4[%mul3A_269, %dma_start3A_278] : memref<4096x128xf32, #tpu.memory_space<hbm>> -> memref<128x128xf32, #tpu.memory_space<hbm>>
        %dma_start3A_280 = arith.constant 0 : i32
        %dma_start3A_281 = arith.constant 0 : i32
        %dma_start3A_282 = tpu.memref_slice %run_scoped3A_8[%rem3A_267, %dma_start3A_280, %dma_start3A_281] : memref<2x128x128xf32, #tpu.memory_space<vmem>> -> memref<1x128x128xf32, #tpu.memory_space<vmem>>
        %dma_start3A_283 = tpu.memref_squeeze %dma_start3A_282 : memref<1x128x128xf32, #tpu.memory_space<vmem>> -> memref<128x128xf32, #tpu.memory_space<vmem>>
        tpu.enqueue_dma source(%dma_start3A_283 : memref<128x128xf32, #tpu.memory_space<vmem>>) target(%dma_start3A_279 : memref<128x128xf32, #tpu.memory_space<hbm>>) target_semaphore(%dma_start3A_277 : memref<!tpu.dma_semaphore, #tpu.memory_space<semaphore_mem>>)
        "tpu.trace_stop"() : () -> ()
      } else {
      }
      %and3A_161 = arith.constant true
      %and3A_162 = arith.andi %or3A_157, %and3A_161 : i1
      %add3A_163 = arith.constant 1 : i32
      %add3A_164 = arith.addi %scan3A_63, %add3A_163 : i32
      %select_n3A_165 = arith.select %and3A_162, %add3A_164, %scan3A_63 : i32
      %ne3A_166 = arith.cmpi ne, %add3A_72, %add3A_82 : i32
      %or3A_167 = arith.constant false
      %or3A_168 = arith.ori %or3A_167, %ne3A_166 : i1
      %not3A_169 = arith.constant true
      %not3A_170 = arith.xori %eq3A_68, %not3A_169 : i1
      %and3A_171 = arith.andi %or3A_168, %not3A_170 : i1
      %convert_element_type3A_172 = arith.extui %and3A_171 : i1 to i32
      %cond3A_173 = arith.constant 0 : i32
      %cond3A_174 = arith.cmpi ne, %convert_element_type3A_172, %cond3A_173 : i32
      scf.if %cond3A_174 {
      } else {
      }
      %and3A_175 = arith.constant false
      %and3A_176 = arith.andi %and3A_171, %and3A_175 : i1
      %ne3A_177 = arith.cmpi ne, %add3A_72, %add3A_82 : i32
      %or3A_178 = arith.constant false
      %or3A_179 = arith.ori %or3A_178, %ne3A_177 : i1
      %or3A_180 = arith.constant false
      %or3A_181 = arith.ori %or3A_179, %or3A_180 : i1
      %not3A_182 = arith.constant true
      %not3A_183 = arith.xori %eq3A_68, %not3A_182 : i1
      %and3A_184 = arith.andi %or3A_181, %not3A_183 : i1
      %convert_element_type3A_185 = arith.extui %and3A_184 : i1 to i32
      %cond3A_186 = arith.constant 0 : i32
      %cond3A_187 = arith.cmpi ne, %convert_element_type3A_185, %cond3A_186 : i32
      scf.if %cond3A_187 {
        "tpu.trace_start"() <{level = 10 : i32, message = "ep_wait_out"}> : () -> ()
        %rem3A_266 = arith.constant 2 : i32
        %rem3A_267 = arith.remui %scan3A_64, %rem3A_266 : i32
        %mul3A_268 = arith.constant 128 : i32
        %mul3A_269 = arith.muli %mul3A_268, %add3A_82 : i32
        %dma_wait3A_270 = arith.constant 0 : i32
        %dma_wait3A_271 = arith.constant 0 : i32
        %dma_wait3A_272 = tpu.memref_slice %run_scoped3A_8[%rem3A_267, %dma_wait3A_270, %dma_wait3A_271] : memref<2x128x128xf32, #tpu.memory_space<vmem>> -> memref<1x128x128xf32, #tpu.memory_space<vmem>>
        %dma_wait3A_273 = tpu.memref_squeeze %dma_wait3A_272 : memref<1x128x128xf32, #tpu.memory_space<vmem>> -> memref<128x128xf32, #tpu.memory_space<vmem>>
        %dma_wait3A_274 = arith.constant 0 : i32
        %dma_wait3A_275 = tpu.memref_slice %arg4[%mul3A_269, %dma_wait3A_274] : memref<4096x128xf32, #tpu.memory_space<hbm>> -> memref<128x128xf32, #tpu.memory_space<hbm>>
        %dma_wait3A_276 = tpu.memref_slice %run_scoped3A_9[%rem3A_267] : memref<2x!tpu.dma_semaphore, #tpu.memory_space<semaphore_mem>> -> memref<1x!tpu.dma_semaphore, #tpu.memory_space<semaphore_mem>>
        %dma_wait3A_277 = tpu.memref_squeeze %dma_wait3A_276 : memref<1x!tpu.dma_semaphore, #tpu.memory_space<semaphore_mem>> -> memref<!tpu.dma_semaphore, #tpu.memory_space<semaphore_mem>>
        %dma_wait3A_278 = arith.constant 0 : i32
        %dma_wait3A_279 = tpu.memref_slice %arg4[%mul3A_269, %dma_wait3A_278] : memref<4096x128xf32, #tpu.memory_space<hbm>> -> memref<128x128xf32, #tpu.memory_space<hbm>>
        %dma_wait3A_280 = arith.constant 0 : i32
        %dma_wait3A_281 = arith.constant 0 : i32
        %dma_wait3A_282 = tpu.memref_slice %run_scoped3A_8[%rem3A_267, %dma_wait3A_280, %dma_wait3A_281] : memref<2x128x128xf32, #tpu.memory_space<vmem>> -> memref<1x128x128xf32, #tpu.memory_space<vmem>>
        %dma_wait3A_283 = tpu.memref_squeeze %dma_wait3A_282 : memref<1x128x128xf32, #tpu.memory_space<vmem>> -> memref<128x128xf32, #tpu.memory_space<vmem>>
        tpu.wait_dma2 semaphore(%dma_wait3A_277 : memref<!tpu.dma_semaphore, #tpu.memory_space<semaphore_mem>>) src(%dma_wait3A_283 : memref<128x128xf32, #tpu.memory_space<vmem>>) dst(%dma_wait3A_279 : memref<128x128xf32, #tpu.memory_space<hbm>>)
        "tpu.trace_stop"() : () -> ()
      } else {
      }
      %and3A_188 = arith.constant true
      %and3A_189 = arith.andi %and3A_184, %and3A_188 : i1
      %add3A_190 = arith.constant 1 : i32
      %add3A_191 = arith.addi %scan3A_64, %add3A_190 : i32
      %select_n3A_192 = arith.select %and3A_189, %add3A_191, %scan3A_64 : i32
      %ne3A_193 = arith.cmpi ne, %add3A_72, %add3A_92 : i32
      %or3A_194 = arith.constant false
      %or3A_195 = arith.ori %or3A_194, %ne3A_193 : i1
      %or3A_196 = arith.ori %or3A_195, %eq3A_70 : i1
      %add3A_197 = arith.constant 1 : i32
      %add3A_198 = arith.addi %scan3A, %add3A_197 : i32
      %select_n3A_199 = arith.select %or3A_196, %add3A_198, %scan3A : i32
      %select_n3A_200 = arith.constant true
      %select_n3A_201 = arith.constant 0 : i32
      %select_n3A_202 = arith.constant 1 : i32
      %select_n3A_203 = arith.select %select_n3A_200, %select_n3A_202, %select_n3A_201 : i32
      %eq3A_204 = arith.constant 1 : i32
      %eq3A_205 = arith.cmpi eq, %select_n3A_203, %eq3A_204 : i32
      %select_n3A_206 = arith.constant 0 : i32
      %select_n3A_207 = arith.select %eq3A_205, %select_n3A_206, %select_n3A_203 : i32
      %scan3A_208 = arith.constant 0 : i32
      %scan3A_209 = arith.constant 1 : i32
      %sub3A = arith.constant 1 : i32
      %sub3A_210 = arith.subi %scan3A_208, %sub3A : i32
      %select_n3A_211 = arith.constant true
      %select_n3A_212 = arith.select %select_n3A_211, %sub3A_210, %scan3A_208 : i32
      %eq3A_213 = arith.constant -1 : i32
      %eq3A_214 = arith.cmpi eq, %select_n3A_212, %eq3A_213 : i32
      %select_n3A_215 = arith.constant 0 : i32
      %select_n3A_216 = arith.select %eq3A_214, %select_n3A_215, %select_n3A_212 : i32
      %add3A_217 = arith.constant 0 : i32
      %add3A_218 = arith.addi %add3A_217, %mul3A_6 : i32
      %select_n3A_219 = arith.constant true
      %select_n3A_220 = arith.constant 0 : i32
      %select_n3A_221 = arith.constant -1 : i32
      %select_n3A_222 = arith.select %select_n3A_219, %select_n3A_221, %select_n3A_220 : i32
      %eq3A_223 = arith.constant -1 : i32
      %eq3A_224 = arith.cmpi eq, %select_n3A_222, %eq3A_223 : i32
      %select_n3A_225 = arith.constant 0 : i32
      %select_n3A_226 = arith.select %eq3A_224, %select_n3A_225, %select_n3A_222 : i32
      %add3A_227 = arith.constant 0 : i32
      %add3A_228 = arith.addi %add3A_227, %mul3A_6 : i32
      %select_n3A_229 = arith.constant true
      %select_n3A_230 = arith.constant 0 : i32
      %select_n3A_231 = arith.constant 1 : i32
      %select_n3A_232 = arith.select %select_n3A_229, %select_n3A_231, %select_n3A_230 : i32
      %eq3A_233 = arith.constant 1 : i32
      %eq3A_234 = arith.cmpi eq, %select_n3A_232, %eq3A_233 : i32
      %select_n3A_235 = arith.constant 0 : i32
      %select_n3A_236 = arith.select %eq3A_234, %select_n3A_235, %select_n3A_232 : i32
      %add3A_237 = arith.constant 0 : i32
      %add3A_238 = arith.addi %add3A_237, %mul3A_6 : i32
      %select_n3A_239 = arith.constant true
      %select_n3A_240 = arith.constant 0 : i32
      %select_n3A_241 = arith.constant 1 : i32
      %select_n3A_242 = arith.select %select_n3A_239, %select_n3A_241, %select_n3A_240 : i32
      %eq3A_243 = arith.constant 1 : i32
      %eq3A_244 = arith.cmpi eq, %select_n3A_242, %eq3A_243 : i32
      %select_n3A_245 = arith.constant 0 : i32
      %select_n3A_246 = arith.select %eq3A_244, %select_n3A_245, %select_n3A_242 : i32
      %add3A_247 = arith.constant 0 : i32
      %add3A_248 = arith.addi %add3A_247, %mul3A_6 : i32
      "tpu.trace_start"() <{level = 10 : i32, message = "ep_finalize"}> : () -> ()
      %rem3A_249 = arith.constant 2 : i32
      %rem3A_250 = arith.remui %select_n3A_192, %rem3A_249 : i32
      %mul3A_251 = arith.constant 128 : i32
      %mul3A_252 = arith.muli %mul3A_251, %add3A_218 : i32
      %dma_wait3A = arith.constant 0 : i32
      %dma_wait3A_253 = arith.constant 0 : i32
      %dma_wait3A_254 = tpu.memref_slice %run_scoped3A_8[%rem3A_250, %dma_wait3A, %dma_wait3A_253] : memref<2x128x128xf32, #tpu.memory_space<vmem>> -> memref<1x128x128xf32, #tpu.memory_space<vmem>>
      %dma_wait3A_255 = tpu.memref_squeeze %dma_wait3A_254 : memref<1x128x128xf32, #tpu.memory_space<vmem>> -> memref<128x128xf32, #tpu.memory_space<vmem>>
      %dma_wait3A_256 = arith.constant 0 : i32
      %dma_wait3A_257 = tpu.memref_slice %arg4[%mul3A_252, %dma_wait3A_256] : memref<4096x128xf32, #tpu.memory_space<hbm>> -> memref<128x128xf32, #tpu.memory_space<hbm>>
      %dma_wait3A_258 = tpu.memref_slice %run_scoped3A_9[%rem3A_250] : memref<2x!tpu.dma_semaphore, #tpu.memory_space<semaphore_mem>> -> memref<1x!tpu.dma_semaphore, #tpu.memory_space<semaphore_mem>>
      %dma_wait3A_259 = tpu.memref_squeeze %dma_wait3A_258 : memref<1x!tpu.dma_semaphore, #tpu.memory_space<semaphore_mem>> -> memref<!tpu.dma_semaphore, #tpu.memory_space<semaphore_mem>>
      %dma_wait3A_260 = arith.constant 0 : i32
      %dma_wait3A_261 = tpu.memref_slice %arg4[%mul3A_252, %dma_wait3A_260] : memref<4096x128xf32, #tpu.memory_space<hbm>> -> memref<128x128xf32, #tpu.memory_space<hbm>>
      %dma_wait3A_262 = arith.constant 0 : i32
      %dma_wait3A_263 = arith.constant 0 : i32
      %dma_wait3A_264 = tpu.memref_slice %run_scoped3A_8[%rem3A_250, %dma_wait3A_262, %dma_wait3A_263] : memref<2x128x128xf32, #tpu.memory_space<vmem>> -> memref<1x128x128xf32, #tpu.memory_space<vmem>>
      %dma_wait3A_265 = tpu.memref_squeeze %dma_wait3A_264 : memref<1x128x128xf32, #tpu.memory_space<vmem>> -> memref<128x128xf32, #tpu.memory_space<vmem>>
      tpu.wait_dma2 semaphore(%dma_wait3A_259 : memref<!tpu.dma_semaphore, #tpu.memory_space<semaphore_mem>>) src(%dma_wait3A_265 : memref<128x128xf32, #tpu.memory_space<vmem>>) dst(%dma_wait3A_261 : memref<128x128xf32, #tpu.memory_space<hbm>>)
      "tpu.trace_stop"() : () -> ()
      tpu.yield
    }) : () -> ()
    return
  }
}

module attributes {stable_mosaic.version = 14 : i64} {
  func.func @_argmin_body(%arg0: i32, %arg1: memref<4096x1xf32, #tpu.memory_space<vmem>>, %arg2: memref<4096x32xf32, #tpu.memory_space<vmem>>, %arg3: memref<2048x32xf32, #tpu.memory_space<vmem>>, %arg4: memref<1x2048xf32, #tpu.memory_space<vmem>>, %arg5: memref<4096x1xi32, #tpu.memory_space<vmem>>, %arg6: memref<4096x128xf32, #tpu.memory_space<vmem>>, %arg7: memref<4096x128xi32, #tpu.memory_space<vmem>>) attributes {dimension_semantics = [#tpu.dimension_semantics<arbitrary>], iteration_bounds = array<i64: 4>, scalar_prefetch = 0 : i64, scratch_operands = 2 : i64, tpu.core_type = #tpu.core_type<tc>, window_params = [{pipeline_mode = #tpu.pipeline_mode<synchronous>, transform_indices = @transform_0, window_bounds = array<i64: 4096, 1>}, {pipeline_mode = #tpu.pipeline_mode<synchronous>, transform_indices = @transform_1, window_bounds = array<i64: 4096, 32>}, {transform_indices = @transform_2, window_bounds = array<i64: 2048, 32>}, {transform_indices = @transform_3, window_bounds = array<i64: 1, 2048>}, {pipeline_mode = #tpu.pipeline_mode<synchronous>, transform_indices = @transform_4, window_bounds = array<i64: 4096, 1>}]} {
    %eq3A = arith.constant 0 : i32
    %eq3A_0 = arith.cmpi eq, %arg0, %eq3A : i32
    %convert_element_type3A = arith.extui %eq3A_0 : i1 to i32
    %cond3A = arith.constant 0 : i32
    %cond3A_1 = arith.cmpi ne, %convert_element_type3A, %cond3A : i32
    scf.if %cond3A_1 {
      %broadcast_in_dim3A_279 = arith.constant 0x7F800000 : f32
      %broadcast_in_dim3A_280 = vector.broadcast %broadcast_in_dim3A_279 : f32 to vector<4096x128xf32>
      %swap3A_281 = arith.constant 0 : index
      %swap3A_282 = arith.constant 0 : index
      %swap3A_283 = vector.load %arg6[%swap3A_281, %swap3A_282] : memref<4096x128xf32, #tpu.memory_space<vmem>>, vector<4096x128xf32>
      tpu.vector_store %arg6[%swap3A_281, %swap3A_282], %broadcast_in_dim3A_280 {strides = array<i32>} : memref<4096x128xf32, #tpu.memory_space<vmem>>, vector<4096x128xf32>,
      %broadcast_in_dim3A_284 = arith.constant 0 : i32
      %broadcast_in_dim3A_285 = vector.broadcast %broadcast_in_dim3A_284 : i32 to vector<4096x128xi32>
      %swap3A_286 = arith.constant 0 : index
      %swap3A_287 = arith.constant 0 : index
      %swap3A_288 = vector.load %arg7[%swap3A_286, %swap3A_287] : memref<4096x128xi32, #tpu.memory_space<vmem>>, vector<4096x128xi32>
      tpu.vector_store %arg7[%swap3A_286, %swap3A_287], %broadcast_in_dim3A_285 {strides = array<i32>} : memref<4096x128xi32, #tpu.memory_space<vmem>>, vector<4096x128xi32>,
    } else {
    }
    %get3A = arith.constant 0 : index
    %get3A_2 = arith.constant 0 : index
    %get3A_3 = vector.load %arg2[%get3A, %get3A_2] : memref<4096x32xf32, #tpu.memory_space<vmem>>, vector<4096x32xf32>
    %get3A_4 = arith.constant 0 : index
    %get3A_5 = arith.constant 0 : index
    %get3A_6 = vector.load %arg3[%get3A_4, %get3A_5] : memref<2048x32xf32, #tpu.memory_space<vmem>>, vector<2048x32xf32>
    %dot_general3A = arith.constant dense<0.000000e+00> : vector<4096x2048xf32>
    %dot_general3A_7 = tpu.matmul %get3A_3, %get3A_6, %dot_general3A {dimension_numbers = #tpu.dot_dimension_numbers<[1], [1], [0], [0], [0, 0, 1, 0], [], []>, transpose_lhs_hint = false} : vector<4096x32xf32>, vector<2048x32xf32>, vector<4096x2048xf32> -> vector<4096x2048xf32>
    %get3A_8 = arith.constant 0 : index
    %get3A_9 = arith.constant 0 : index
    %get3A_10 = vector.load %arg1[%get3A_8, %get3A_9] : memref<4096x1xf32, #tpu.memory_space<vmem>>, vector<4096x1xf32>
    %slice3A = vector.extract_strided_slice %dot_general3A_7 {offsets = [0, 0], sizes = [4096, 128], strides = [1, 1]} : vector<4096x2048xf32> to vector<4096x128xf32>
    %sub3A = vector.broadcast %get3A_10 : vector<4096x1xf32> to vector<4096x128xf32>
    %sub3A_11 = arith.subf %sub3A, %slice3A : vector<4096x128xf32>
    %get3A_12 = arith.constant 0 : index
    %get3A_13 = arith.constant 0 : index
    %get3A_14 = vector.load %arg4[%get3A_12, %get3A_13] : memref<1x2048xf32, #tpu.memory_space<vmem>>, vector<1x128xf32>
    %add3A = vector.broadcast %get3A_14 : vector<1x128xf32> to vector<4096x128xf32>
    %add3A_15 = arith.addf %sub3A_11, %add3A : vector<4096x128xf32>
    %mul3A = arith.constant 16 : i32
    %mul3A_16 = arith.muli %arg0, %mul3A : i32
    %add3A_17 = arith.constant 0 : i32
    %add3A_18 = arith.addi %mul3A_16, %add3A_17 : i32
    %slice3A_19 = vector.extract_strided_slice %dot_general3A_7 {offsets = [0, 128], sizes = [4096, 128], strides = [1, 1]} : vector<4096x2048xf32> to vector<4096x128xf32>
    %sub3A_20 = vector.broadcast %get3A_10 : vector<4096x1xf32> to vector<4096x128xf32>
    %sub3A_21 = arith.subf %sub3A_20, %slice3A_19 : vector<4096x128xf32>
    %get3A_22 = arith.constant 0 : index
    %get3A_23 = arith.constant 128 : index
    %get3A_24 = vector.load %arg4[%get3A_22, %get3A_23] : memref<1x2048xf32, #tpu.memory_space<vmem>>, vector<1x128xf32>
    %add3A_25 = vector.broadcast %get3A_24 : vector<1x128xf32> to vector<4096x128xf32>
    %add3A_26 = arith.addf %sub3A_21, %add3A_25 : vector<4096x128xf32>
    %mul3A_27 = arith.constant 16 : i32
    %mul3A_28 = arith.muli %arg0, %mul3A_27 : i32
    %add3A_29 = arith.constant 1 : i32
    %add3A_30 = arith.addi %mul3A_28, %add3A_29 : i32
    %slice3A_31 = vector.extract_strided_slice %dot_general3A_7 {offsets = [0, 256], sizes = [4096, 128], strides = [1, 1]} : vector<4096x2048xf32> to vector<4096x128xf32>
    %sub3A_32 = vector.broadcast %get3A_10 : vector<4096x1xf32> to vector<4096x128xf32>
    %sub3A_33 = arith.subf %sub3A_32, %slice3A_31 : vector<4096x128xf32>
    %get3A_34 = arith.constant 0 : index
    %get3A_35 = arith.constant 256 : index
    %get3A_36 = vector.load %arg4[%get3A_34, %get3A_35] : memref<1x2048xf32, #tpu.memory_space<vmem>>, vector<1x128xf32>
    %add3A_37 = vector.broadcast %get3A_36 : vector<1x128xf32> to vector<4096x128xf32>
    %add3A_38 = arith.addf %sub3A_33, %add3A_37 : vector<4096x128xf32>
    %mul3A_39 = arith.constant 16 : i32
    %mul3A_40 = arith.muli %arg0, %mul3A_39 : i32
    %add3A_41 = arith.constant 2 : i32
    %add3A_42 = arith.addi %mul3A_40, %add3A_41 : i32
    %slice3A_43 = vector.extract_strided_slice %dot_general3A_7 {offsets = [0, 384], sizes = [4096, 128], strides = [1, 1]} : vector<4096x2048xf32> to vector<4096x128xf32>
    %sub3A_44 = vector.broadcast %get3A_10 : vector<4096x1xf32> to vector<4096x128xf32>
    %sub3A_45 = arith.subf %sub3A_44, %slice3A_43 : vector<4096x128xf32>
    %get3A_46 = arith.constant 0 : index
    %get3A_47 = arith.constant 384 : index
    %get3A_48 = vector.load %arg4[%get3A_46, %get3A_47] : memref<1x2048xf32, #tpu.memory_space<vmem>>, vector<1x128xf32>
    %add3A_49 = vector.broadcast %get3A_48 : vector<1x128xf32> to vector<4096x128xf32>
    %add3A_50 = arith.addf %sub3A_45, %add3A_49 : vector<4096x128xf32>
    %mul3A_51 = arith.constant 16 : i32
    %mul3A_52 = arith.muli %arg0, %mul3A_51 : i32
    %add3A_53 = arith.constant 3 : i32
    %add3A_54 = arith.addi %mul3A_52, %add3A_53 : i32
    %slice3A_55 = vector.extract_strided_slice %dot_general3A_7 {offsets = [0, 512], sizes = [4096, 128], strides = [1, 1]} : vector<4096x2048xf32> to vector<4096x128xf32>
    %sub3A_56 = vector.broadcast %get3A_10 : vector<4096x1xf32> to vector<4096x128xf32>
    %sub3A_57 = arith.subf %sub3A_56, %slice3A_55 : vector<4096x128xf32>
    %get3A_58 = arith.constant 0 : index
    %get3A_59 = arith.constant 512 : index
    %get3A_60 = vector.load %arg4[%get3A_58, %get3A_59] : memref<1x2048xf32, #tpu.memory_space<vmem>>, vector<1x128xf32>
    %add3A_61 = vector.broadcast %get3A_60 : vector<1x128xf32> to vector<4096x128xf32>
    %add3A_62 = arith.addf %sub3A_57, %add3A_61 : vector<4096x128xf32>
    %mul3A_63 = arith.constant 16 : i32
    %mul3A_64 = arith.muli %arg0, %mul3A_63 : i32
    %add3A_65 = arith.constant 4 : i32
    %add3A_66 = arith.addi %mul3A_64, %add3A_65 : i32
    %slice3A_67 = vector.extract_strided_slice %dot_general3A_7 {offsets = [0, 640], sizes = [4096, 128], strides = [1, 1]} : vector<4096x2048xf32> to vector<4096x128xf32>
    %sub3A_68 = vector.broadcast %get3A_10 : vector<4096x1xf32> to vector<4096x128xf32>
    %sub3A_69 = arith.subf %sub3A_68, %slice3A_67 : vector<4096x128xf32>
    %get3A_70 = arith.constant 0 : index
    %get3A_71 = arith.constant 640 : index
    %get3A_72 = vector.load %arg4[%get3A_70, %get3A_71] : memref<1x2048xf32, #tpu.memory_space<vmem>>, vector<1x128xf32>
    %add3A_73 = vector.broadcast %get3A_72 : vector<1x128xf32> to vector<4096x128xf32>
    %add3A_74 = arith.addf %sub3A_69, %add3A_73 : vector<4096x128xf32>
    %mul3A_75 = arith.constant 16 : i32
    %mul3A_76 = arith.muli %arg0, %mul3A_75 : i32
    %add3A_77 = arith.constant 5 : i32
    %add3A_78 = arith.addi %mul3A_76, %add3A_77 : i32
    %slice3A_79 = vector.extract_strided_slice %dot_general3A_7 {offsets = [0, 768], sizes = [4096, 128], strides = [1, 1]} : vector<4096x2048xf32> to vector<4096x128xf32>
    %sub3A_80 = vector.broadcast %get3A_10 : vector<4096x1xf32> to vector<4096x128xf32>
    %sub3A_81 = arith.subf %sub3A_80, %slice3A_79 : vector<4096x128xf32>
    %get3A_82 = arith.constant 0 : index
    %get3A_83 = arith.constant 768 : index
    %get3A_84 = vector.load %arg4[%get3A_82, %get3A_83] : memref<1x2048xf32, #tpu.memory_space<vmem>>, vector<1x128xf32>
    %add3A_85 = vector.broadcast %get3A_84 : vector<1x128xf32> to vector<4096x128xf32>
    %add3A_86 = arith.addf %sub3A_81, %add3A_85 : vector<4096x128xf32>
    %mul3A_87 = arith.constant 16 : i32
    %mul3A_88 = arith.muli %arg0, %mul3A_87 : i32
    %add3A_89 = arith.constant 6 : i32
    %add3A_90 = arith.addi %mul3A_88, %add3A_89 : i32
    %slice3A_91 = vector.extract_strided_slice %dot_general3A_7 {offsets = [0, 896], sizes = [4096, 128], strides = [1, 1]} : vector<4096x2048xf32> to vector<4096x128xf32>
    %sub3A_92 = vector.broadcast %get3A_10 : vector<4096x1xf32> to vector<4096x128xf32>
    %sub3A_93 = arith.subf %sub3A_92, %slice3A_91 : vector<4096x128xf32>
    %get3A_94 = arith.constant 0 : index
    %get3A_95 = arith.constant 896 : index
    %get3A_96 = vector.load %arg4[%get3A_94, %get3A_95] : memref<1x2048xf32, #tpu.memory_space<vmem>>, vector<1x128xf32>
    %add3A_97 = vector.broadcast %get3A_96 : vector<1x128xf32> to vector<4096x128xf32>
    %add3A_98 = arith.addf %sub3A_93, %add3A_97 : vector<4096x128xf32>
    %mul3A_99 = arith.constant 16 : i32
    %mul3A_100 = arith.muli %arg0, %mul3A_99 : i32
    %add3A_101 = arith.constant 7 : i32
    %add3A_102 = arith.addi %mul3A_100, %add3A_101 : i32
    %slice3A_103 = vector.extract_strided_slice %dot_general3A_7 {offsets = [0, 1024], sizes = [4096, 128], strides = [1, 1]} : vector<4096x2048xf32> to vector<4096x128xf32>
    %sub3A_104 = vector.broadcast %get3A_10 : vector<4096x1xf32> to vector<4096x128xf32>
    %sub3A_105 = arith.subf %sub3A_104, %slice3A_103 : vector<4096x128xf32>
    %get3A_106 = arith.constant 0 : index
    %get3A_107 = arith.constant 1024 : index
    %get3A_108 = vector.load %arg4[%get3A_106, %get3A_107] : memref<1x2048xf32, #tpu.memory_space<vmem>>, vector<1x128xf32>
    %add3A_109 = vector.broadcast %get3A_108 : vector<1x128xf32> to vector<4096x128xf32>
    %add3A_110 = arith.addf %sub3A_105, %add3A_109 : vector<4096x128xf32>
    %mul3A_111 = arith.constant 16 : i32
    %mul3A_112 = arith.muli %arg0, %mul3A_111 : i32
    %add3A_113 = arith.constant 8 : i32
    %add3A_114 = arith.addi %mul3A_112, %add3A_113 : i32
    %slice3A_115 = vector.extract_strided_slice %dot_general3A_7 {offsets = [0, 1152], sizes = [4096, 128], strides = [1, 1]} : vector<4096x2048xf32> to vector<4096x128xf32>
    %sub3A_116 = vector.broadcast %get3A_10 : vector<4096x1xf32> to vector<4096x128xf32>
    %sub3A_117 = arith.subf %sub3A_116, %slice3A_115 : vector<4096x128xf32>
    %get3A_118 = arith.constant 0 : index
    %get3A_119 = arith.constant 1152 : index
    %get3A_120 = vector.load %arg4[%get3A_118, %get3A_119] : memref<1x2048xf32, #tpu.memory_space<vmem>>, vector<1x128xf32>
    %add3A_121 = vector.broadcast %get3A_120 : vector<1x128xf32> to vector<4096x128xf32>
    %add3A_122 = arith.addf %sub3A_117, %add3A_121 : vector<4096x128xf32>
    %mul3A_123 = arith.constant 16 : i32
    %mul3A_124 = arith.muli %arg0, %mul3A_123 : i32
    %add3A_125 = arith.constant 9 : i32
    %add3A_126 = arith.addi %mul3A_124, %add3A_125 : i32
    %slice3A_127 = vector.extract_strided_slice %dot_general3A_7 {offsets = [0, 1280], sizes = [4096, 128], strides = [1, 1]} : vector<4096x2048xf32> to vector<4096x128xf32>
    %sub3A_128 = vector.broadcast %get3A_10 : vector<4096x1xf32> to vector<4096x128xf32>
    %sub3A_129 = arith.subf %sub3A_128, %slice3A_127 : vector<4096x128xf32>
    %get3A_130 = arith.constant 0 : index
    %get3A_131 = arith.constant 1280 : index
    %get3A_132 = vector.load %arg4[%get3A_130, %get3A_131] : memref<1x2048xf32, #tpu.memory_space<vmem>>, vector<1x128xf32>
    %add3A_133 = vector.broadcast %get3A_132 : vector<1x128xf32> to vector<4096x128xf32>
    %add3A_134 = arith.addf %sub3A_129, %add3A_133 : vector<4096x128xf32>
    %mul3A_135 = arith.constant 16 : i32
    %mul3A_136 = arith.muli %arg0, %mul3A_135 : i32
    %add3A_137 = arith.constant 10 : i32
    %add3A_138 = arith.addi %mul3A_136, %add3A_137 : i32
    %slice3A_139 = vector.extract_strided_slice %dot_general3A_7 {offsets = [0, 1408], sizes = [4096, 128], strides = [1, 1]} : vector<4096x2048xf32> to vector<4096x128xf32>
    %sub3A_140 = vector.broadcast %get3A_10 : vector<4096x1xf32> to vector<4096x128xf32>
    %sub3A_141 = arith.subf %sub3A_140, %slice3A_139 : vector<4096x128xf32>
    %get3A_142 = arith.constant 0 : index
    %get3A_143 = arith.constant 1408 : index
    %get3A_144 = vector.load %arg4[%get3A_142, %get3A_143] : memref<1x2048xf32, #tpu.memory_space<vmem>>, vector<1x128xf32>
    %add3A_145 = vector.broadcast %get3A_144 : vector<1x128xf32> to vector<4096x128xf32>
    %add3A_146 = arith.addf %sub3A_141, %add3A_145 : vector<4096x128xf32>
    %mul3A_147 = arith.constant 16 : i32
    %mul3A_148 = arith.muli %arg0, %mul3A_147 : i32
    %add3A_149 = arith.constant 11 : i32
    %add3A_150 = arith.addi %mul3A_148, %add3A_149 : i32
    %slice3A_151 = vector.extract_strided_slice %dot_general3A_7 {offsets = [0, 1536], sizes = [4096, 128], strides = [1, 1]} : vector<4096x2048xf32> to vector<4096x128xf32>
    %sub3A_152 = vector.broadcast %get3A_10 : vector<4096x1xf32> to vector<4096x128xf32>
    %sub3A_153 = arith.subf %sub3A_152, %slice3A_151 : vector<4096x128xf32>
    %get3A_154 = arith.constant 0 : index
    %get3A_155 = arith.constant 1536 : index
    %get3A_156 = vector.load %arg4[%get3A_154, %get3A_155] : memref<1x2048xf32, #tpu.memory_space<vmem>>, vector<1x128xf32>
    %add3A_157 = vector.broadcast %get3A_156 : vector<1x128xf32> to vector<4096x128xf32>
    %add3A_158 = arith.addf %sub3A_153, %add3A_157 : vector<4096x128xf32>
    %mul3A_159 = arith.constant 16 : i32
    %mul3A_160 = arith.muli %arg0, %mul3A_159 : i32
    %add3A_161 = arith.constant 12 : i32
    %add3A_162 = arith.addi %mul3A_160, %add3A_161 : i32
    %slice3A_163 = vector.extract_strided_slice %dot_general3A_7 {offsets = [0, 1664], sizes = [4096, 128], strides = [1, 1]} : vector<4096x2048xf32> to vector<4096x128xf32>
    %sub3A_164 = vector.broadcast %get3A_10 : vector<4096x1xf32> to vector<4096x128xf32>
    %sub3A_165 = arith.subf %sub3A_164, %slice3A_163 : vector<4096x128xf32>
    %get3A_166 = arith.constant 0 : index
    %get3A_167 = arith.constant 1664 : index
    %get3A_168 = vector.load %arg4[%get3A_166, %get3A_167] : memref<1x2048xf32, #tpu.memory_space<vmem>>, vector<1x128xf32>
    %add3A_169 = vector.broadcast %get3A_168 : vector<1x128xf32> to vector<4096x128xf32>
    %add3A_170 = arith.addf %sub3A_165, %add3A_169 : vector<4096x128xf32>
    %mul3A_171 = arith.constant 16 : i32
    %mul3A_172 = arith.muli %arg0, %mul3A_171 : i32
    %add3A_173 = arith.constant 13 : i32
    %add3A_174 = arith.addi %mul3A_172, %add3A_173 : i32
    %slice3A_175 = vector.extract_strided_slice %dot_general3A_7 {offsets = [0, 1792], sizes = [4096, 128], strides = [1, 1]} : vector<4096x2048xf32> to vector<4096x128xf32>
    %sub3A_176 = vector.broadcast %get3A_10 : vector<4096x1xf32> to vector<4096x128xf32>
    %sub3A_177 = arith.subf %sub3A_176, %slice3A_175 : vector<4096x128xf32>
    %get3A_178 = arith.constant 0 : index
    %get3A_179 = arith.constant 1792 : index
    %get3A_180 = vector.load %arg4[%get3A_178, %get3A_179] : memref<1x2048xf32, #tpu.memory_space<vmem>>, vector<1x128xf32>
    %add3A_181 = vector.broadcast %get3A_180 : vector<1x128xf32> to vector<4096x128xf32>
    %add3A_182 = arith.addf %sub3A_177, %add3A_181 : vector<4096x128xf32>
    %mul3A_183 = arith.constant 16 : i32
    %mul3A_184 = arith.muli %arg0, %mul3A_183 : i32
    %add3A_185 = arith.constant 14 : i32
    %add3A_186 = arith.addi %mul3A_184, %add3A_185 : i32
    %slice3A_187 = vector.extract_strided_slice %dot_general3A_7 {offsets = [0, 1920], sizes = [4096, 128], strides = [1, 1]} : vector<4096x2048xf32> to vector<4096x128xf32>
    %sub3A_188 = vector.broadcast %get3A_10 : vector<4096x1xf32> to vector<4096x128xf32>
    %sub3A_189 = arith.subf %sub3A_188, %slice3A_187 : vector<4096x128xf32>
    %get3A_190 = arith.constant 0 : index
    %get3A_191 = arith.constant 1920 : index
    %get3A_192 = vector.load %arg4[%get3A_190, %get3A_191] : memref<1x2048xf32, #tpu.memory_space<vmem>>, vector<1x128xf32>
    %add3A_193 = vector.broadcast %get3A_192 : vector<1x128xf32> to vector<4096x128xf32>
    %add3A_194 = arith.addf %sub3A_189, %add3A_193 : vector<4096x128xf32>
    %mul3A_195 = arith.constant 16 : i32
    %mul3A_196 = arith.muli %arg0, %mul3A_195 : i32
    %add3A_197 = arith.constant 15 : i32
    %add3A_198 = arith.addi %mul3A_196, %add3A_197 : i32
    %lt3A = arith.cmpf olt, %add3A_26, %add3A_15 : vector<4096x128xf32>
    %select_n3A = arith.select %lt3A, %add3A_26, %add3A_15 : vector<4096x128xi1>, vector<4096x128xf32>
    %broadcast_in_dim3A = vector.broadcast %add3A_30 : i32 to vector<4096x128xi32>
    %broadcast_in_dim3A_199 = vector.broadcast %add3A_18 : i32 to vector<4096x128xi32>
    %select_n3A_200 = arith.select %lt3A, %broadcast_in_dim3A, %broadcast_in_dim3A_199 : vector<4096x128xi1>, vector<4096x128xi32>
    %lt3A_201 = arith.cmpf olt, %add3A_50, %add3A_38 : vector<4096x128xf32>
    %select_n3A_202 = arith.select %lt3A_201, %add3A_50, %add3A_38 : vector<4096x128xi1>, vector<4096x128xf32>
    %broadcast_in_dim3A_203 = vector.broadcast %add3A_54 : i32 to vector<4096x128xi32>
    %broadcast_in_dim3A_204 = vector.broadcast %add3A_42 : i32 to vector<4096x128xi32>
    %select_n3A_205 = arith.select %lt3A_201, %broadcast_in_dim3A_203, %broadcast_in_dim3A_204 : vector<4096x128xi1>, vector<4096x128xi32>
    %lt3A_206 = arith.cmpf olt, %add3A_74, %add3A_62 : vector<4096x128xf32>
    %select_n3A_207 = arith.select %lt3A_206, %add3A_74, %add3A_62 : vector<4096x128xi1>, vector<4096x128xf32>
    %broadcast_in_dim3A_208 = vector.broadcast %add3A_78 : i32 to vector<4096x128xi32>
    %broadcast_in_dim3A_209 = vector.broadcast %add3A_66 : i32 to vector<4096x128xi32>
    %select_n3A_210 = arith.select %lt3A_206, %broadcast_in_dim3A_208, %broadcast_in_dim3A_209 : vector<4096x128xi1>, vector<4096x128xi32>
    %lt3A_211 = arith.cmpf olt, %add3A_98, %add3A_86 : vector<4096x128xf32>
    %select_n3A_212 = arith.select %lt3A_211, %add3A_98, %add3A_86 : vector<4096x128xi1>, vector<4096x128xf32>
    %broadcast_in_dim3A_213 = vector.broadcast %add3A_102 : i32 to vector<4096x128xi32>
    %broadcast_in_dim3A_214 = vector.broadcast %add3A_90 : i32 to vector<4096x128xi32>
    %select_n3A_215 = arith.select %lt3A_211, %broadcast_in_dim3A_213, %broadcast_in_dim3A_214 : vector<4096x128xi1>, vector<4096x128xi32>
    %lt3A_216 = arith.cmpf olt, %add3A_122, %add3A_110 : vector<4096x128xf32>
    %select_n3A_217 = arith.select %lt3A_216, %add3A_122, %add3A_110 : vector<4096x128xi1>, vector<4096x128xf32>
    %broadcast_in_dim3A_218 = vector.broadcast %add3A_126 : i32 to vector<4096x128xi32>
    %broadcast_in_dim3A_219 = vector.broadcast %add3A_114 : i32 to vector<4096x128xi32>
    %select_n3A_220 = arith.select %lt3A_216, %broadcast_in_dim3A_218, %broadcast_in_dim3A_219 : vector<4096x128xi1>, vector<4096x128xi32>
    %lt3A_221 = arith.cmpf olt, %add3A_146, %add3A_134 : vector<4096x128xf32>
    %select_n3A_222 = arith.select %lt3A_221, %add3A_146, %add3A_134 : vector<4096x128xi1>, vector<4096x128xf32>
    %broadcast_in_dim3A_223 = vector.broadcast %add3A_150 : i32 to vector<4096x128xi32>
    %broadcast_in_dim3A_224 = vector.broadcast %add3A_138 : i32 to vector<4096x128xi32>
    %select_n3A_225 = arith.select %lt3A_221, %broadcast_in_dim3A_223, %broadcast_in_dim3A_224 : vector<4096x128xi1>, vector<4096x128xi32>
    %lt3A_226 = arith.cmpf olt, %add3A_170, %add3A_158 : vector<4096x128xf32>
    %select_n3A_227 = arith.select %lt3A_226, %add3A_170, %add3A_158 : vector<4096x128xi1>, vector<4096x128xf32>
    %broadcast_in_dim3A_228 = vector.broadcast %add3A_174 : i32 to vector<4096x128xi32>
    %broadcast_in_dim3A_229 = vector.broadcast %add3A_162 : i32 to vector<4096x128xi32>
    %select_n3A_230 = arith.select %lt3A_226, %broadcast_in_dim3A_228, %broadcast_in_dim3A_229 : vector<4096x128xi1>, vector<4096x128xi32>
    %lt3A_231 = arith.cmpf olt, %add3A_194, %add3A_182 : vector<4096x128xf32>
    %select_n3A_232 = arith.select %lt3A_231, %add3A_194, %add3A_182 : vector<4096x128xi1>, vector<4096x128xf32>
    %broadcast_in_dim3A_233 = vector.broadcast %add3A_198 : i32 to vector<4096x128xi32>
    %broadcast_in_dim3A_234 = vector.broadcast %add3A_186 : i32 to vector<4096x128xi32>
    %select_n3A_235 = arith.select %lt3A_231, %broadcast_in_dim3A_233, %broadcast_in_dim3A_234 : vector<4096x128xi1>, vector<4096x128xi32>
    %lt3A_236 = arith.cmpf olt, %select_n3A_202, %select_n3A : vector<4096x128xf32>
    %select_n3A_237 = arith.select %lt3A_236, %select_n3A_202, %select_n3A : vector<4096x128xi1>, vector<4096x128xf32>
    %select_n3A_238 = arith.select %lt3A_236, %select_n3A_205, %select_n3A_200 : vector<4096x128xi1>, vector<4096x128xi32>
    %lt3A_239 = arith.cmpf olt, %select_n3A_212, %select_n3A_207 : vector<4096x128xf32>
    %select_n3A_240 = arith.select %lt3A_239, %select_n3A_212, %select_n3A_207 : vector<4096x128xi1>, vector<4096x128xf32>
    %select_n3A_241 = arith.select %lt3A_239, %select_n3A_215, %select_n3A_210 : vector<4096x128xi1>, vector<4096x128xi32>
    %lt3A_242 = arith.cmpf olt, %select_n3A_222, %select_n3A_217 : vector<4096x128xf32>
    %select_n3A_243 = arith.select %lt3A_242, %select_n3A_222, %select_n3A_217 : vector<4096x128xi1>, vector<4096x128xf32>
    %select_n3A_244 = arith.select %lt3A_242, %select_n3A_225, %select_n3A_220 : vector<4096x128xi1>, vector<4096x128xi32>
    %lt3A_245 = arith.cmpf olt, %select_n3A_232, %select_n3A_227 : vector<4096x128xf32>
    %select_n3A_246 = arith.select %lt3A_245, %select_n3A_232, %select_n3A_227 : vector<4096x128xi1>, vector<4096x128xf32>
    %select_n3A_247 = arith.select %lt3A_245, %select_n3A_235, %select_n3A_230 : vector<4096x128xi1>, vector<4096x128xi32>
    %lt3A_248 = arith.cmpf olt, %select_n3A_240, %select_n3A_237 : vector<4096x128xf32>
    %select_n3A_249 = arith.select %lt3A_248, %select_n3A_240, %select_n3A_237 : vector<4096x128xi1>, vector<4096x128xf32>
    %select_n3A_250 = arith.select %lt3A_248, %select_n3A_241, %select_n3A_238 : vector<4096x128xi1>, vector<4096x128xi32>
    %lt3A_251 = arith.cmpf olt, %select_n3A_246, %select_n3A_243 : vector<4096x128xf32>
    %select_n3A_252 = arith.select %lt3A_251, %select_n3A_246, %select_n3A_243 : vector<4096x128xi1>, vector<4096x128xf32>
    %select_n3A_253 = arith.select %lt3A_251, %select_n3A_247, %select_n3A_244 : vector<4096x128xi1>, vector<4096x128xi32>
    %lt3A_254 = arith.cmpf olt, %select_n3A_252, %select_n3A_249 : vector<4096x128xf32>
    %select_n3A_255 = arith.select %lt3A_254, %select_n3A_252, %select_n3A_249 : vector<4096x128xi1>, vector<4096x128xf32>
    %select_n3A_256 = arith.select %lt3A_254, %select_n3A_253, %select_n3A_250 : vector<4096x128xi1>, vector<4096x128xi32>
    %get3A_257 = arith.constant 0 : index
    %get3A_258 = arith.constant 0 : index
    %get3A_259 = vector.load %arg6[%get3A_257, %get3A_258] : memref<4096x128xf32, #tpu.memory_space<vmem>>, vector<4096x128xf32>
    %lt3A_260 = arith.cmpf olt, %select_n3A_255, %get3A_259 : vector<4096x128xf32>
    %get3A_261 = arith.constant 0 : index
    %get3A_262 = arith.constant 0 : index
    %get3A_263 = vector.load %arg6[%get3A_261, %get3A_262] : memref<4096x128xf32, #tpu.memory_space<vmem>>, vector<4096x128xf32>
    %select_n3A_264 = arith.select %lt3A_260, %select_n3A_255, %get3A_263 : vector<4096x128xi1>, vector<4096x128xf32>
    %swap3A = arith.constant 0 : index
    %swap3A_265 = arith.constant 0 : index
    %swap3A_266 = vector.load %arg6[%swap3A, %swap3A_265] : memref<4096x128xf32, #tpu.memory_space<vmem>>, vector<4096x128xf32>
    tpu.vector_store %arg6[%swap3A, %swap3A_265], %select_n3A_264 {strides = array<i32>} : memref<4096x128xf32, #tpu.memory_space<vmem>>, vector<4096x128xf32>,
    %get3A_267 = arith.constant 0 : index
    %get3A_268 = arith.constant 0 : index
    %get3A_269 = vector.load %arg7[%get3A_267, %get3A_268] : memref<4096x128xi32, #tpu.memory_space<vmem>>, vector<4096x128xi32>
    %select_n3A_270 = arith.select %lt3A_260, %select_n3A_256, %get3A_269 : vector<4096x128xi1>, vector<4096x128xi32>
    %swap3A_271 = arith.constant 0 : index
    %swap3A_272 = arith.constant 0 : index
    %swap3A_273 = vector.load %arg7[%swap3A_271, %swap3A_272] : memref<4096x128xi32, #tpu.memory_space<vmem>>, vector<4096x128xi32>
    tpu.vector_store %arg7[%swap3A_271, %swap3A_272], %select_n3A_270 {strides = array<i32>} : memref<4096x128xi32, #tpu.memory_space<vmem>>, vector<4096x128xi32>,
    %eq3A_274 = arith.constant 3 : i32
    %eq3A_275 = arith.cmpi eq, %arg0, %eq3A_274 : i32
    %convert_element_type3A_276 = arith.extui %eq3A_275 : i1 to i32
    %cond3A_277 = arith.constant 0 : i32
    %cond3A_278 = arith.cmpi ne, %convert_element_type3A_276, %cond3A_277 : i32
    scf.if %cond3A_278 {
      %get3A_279 = arith.constant 0 : index
      %get3A_280 = arith.constant 0 : index
      %get3A_281 = vector.load %arg6[%get3A_279, %get3A_280] : memref<4096x128xf32, #tpu.memory_space<vmem>>, vector<4096x128xf32>
      %reduce_min3A = arith.constant dense<0x7F800000> : vector<4096xf32>
      %reduce_min3A_282 = vector.multi_reduction <minimumf>, %get3A_281, %reduce_min3A [1] : vector<4096x128xf32> to vector<4096xf32>
      %broadcast_in_dim3A_283 = vector.shape_cast %reduce_min3A_282 : vector<4096xf32> to vector<4096x1xf32>
      %get3A_284 = arith.constant 0 : index
      %get3A_285 = arith.constant 0 : index
      %get3A_286 = vector.load %arg7[%get3A_284, %get3A_285] : memref<4096x128xi32, #tpu.memory_space<vmem>>, vector<4096x128xi32>
      %mul3A_287 = arith.constant 128 : i32
      %mul3A_288 = vector.broadcast %mul3A_287 : i32 to vector<4096x128xi32>
      %mul3A_289 = arith.muli %get3A_286, %mul3A_288 : vector<4096x128xi32>
      %iota3A = tpu.iota {dimensions = array<i32: 1>} : vector<4096x128xi32>
      %add3A_290 = arith.addi %mul3A_289, %iota3A : vector<4096x128xi32>
      %eq3A_291 = vector.broadcast %broadcast_in_dim3A_283 : vector<4096x1xf32> to vector<4096x128xf32>
      %eq3A_292 = arith.cmpf oeq, %get3A_281, %eq3A_291 : vector<4096x128xf32>
      %jit3A = arith.constant 8192 : i32
      %broadcast_in_dim3A_293 = vector.broadcast %jit3A : i32 to vector<4096x128xi32>
      %select_n3A_294 = arith.select %eq3A_292, %add3A_290, %broadcast_in_dim3A_293 : vector<4096x128xi1>, vector<4096x128xi32>
      %reduce_min3A_295 = arith.constant dense<2147483647> : vector<4096xi32>
      %reduce_min3A_296 = vector.multi_reduction <minsi>, %select_n3A_294, %reduce_min3A_295 [1] : vector<4096x128xi32> to vector<4096xi32>
      %broadcast_in_dim3A_297 = vector.shape_cast %reduce_min3A_296 : vector<4096xi32> to vector<4096x1xi32>
      %swap3A_298 = arith.constant 0 : index
      %swap3A_299 = arith.constant 0 : index
      %swap3A_300 = vector.load %arg5[%swap3A_298, %swap3A_299] : memref<4096x1xi32, #tpu.memory_space<vmem>>, vector<4096x1xi32>
      tpu.vector_store %arg5[%swap3A_298, %swap3A_299], %broadcast_in_dim3A_297 {strides = array<i32>} : memref<4096x1xi32, #tpu.memory_space<vmem>>, vector<4096x1xi32>,
    } else {
    }
    return
  }
  func.func @transform_0(%arg0: i32) -> (i32, i32) {
    %c0_i32 = arith.constant 0 : i32
    %c0_i32_0 = arith.constant 0 : i32
    %c0_i32_1 = arith.constant 0 : i32
    return %c0_i32, %c0_i32_0 : i32, i32
  }
  func.func @transform_1(%arg0: i32) -> (i32, i32) {
    %c0_i32 = arith.constant 0 : i32
    %c0_i32_0 = arith.constant 0 : i32
    %c0_i32_1 = arith.constant 0 : i32
    return %c0_i32, %c0_i32_0 : i32, i32
  }
  func.func @transform_2(%arg0: i32) -> (i32, i32) {
    %c0_i32 = arith.constant 0 : i32
    %c0_i32_0 = arith.constant 0 : i32
    return %arg0, %c0_i32 : i32, i32
  }
  func.func @transform_3(%arg0: i32) -> (i32, i32) {
    %c0_i32 = arith.constant 0 : i32
    %c0_i32_0 = arith.constant 0 : i32
    return %c0_i32, %arg0 : i32, i32
  }
  func.func @transform_4(%arg0: i32) -> (i32, i32) {
    %c0_i32 = arith.constant 0 : i32
    %c0_i32_0 = arith.constant 0 : i32
    %c0_i32_1 = arith.constant 0 : i32
    return %c0_i32, %c0_i32_0 : i32, i32
  }
}

module attributes {stable_mosaic.version = 14 : i64} {
  func.func @_finish_body(%arg0: memref<4096x32xf32, #tpu.memory_space<vmem>>, %arg1: memref<4096x128xf32, #tpu.memory_space<vmem>>, %arg2: memref<4096x32xf32, #tpu.memory_space<vmem>>, %arg3: memref<1x1xf32, #tpu.memory_space<vmem>>) attributes {dimension_semantics = [], scalar_prefetch = 0 : i64, scratch_operands = 0 : i64, tpu.core_type = #tpu.core_type<tc>} {
    %get3A = arith.constant 0 : index
    %get3A_0 = arith.constant 0 : index
    %get3A_1 = vector.load %arg0[%get3A, %get3A_0] : memref<4096x32xf32, #tpu.memory_space<vmem>>, vector<4096x32xf32>
    %get3A_2 = arith.constant 0 : index
    %get3A_3 = arith.constant 0 : index
    %get3A_4 = vector.load %arg1[%get3A_2, %get3A_3] : memref<4096x128xf32, #tpu.memory_space<vmem>>, vector<4096x32xf32>
    %sub3A = arith.subf %get3A_4, %get3A_1 : vector<4096x32xf32>
    %add3A = arith.addf %get3A_1, %sub3A : vector<4096x32xf32>
    %swap3A = arith.constant 0 : index
    %swap3A_5 = arith.constant 0 : index
    %swap3A_6 = vector.load %arg2[%swap3A, %swap3A_5] : memref<4096x32xf32, #tpu.memory_space<vmem>>, vector<4096x32xf32>
    tpu.vector_store %arg2[%swap3A, %swap3A_5], %add3A {strides = array<i32>} : memref<4096x32xf32, #tpu.memory_space<vmem>>, vector<4096x32xf32>,
    %sub3A_7 = arith.subf %get3A_1, %get3A_4 : vector<4096x32xf32>
    %mul3A = arith.mulf %sub3A_7, %sub3A_7 : vector<4096x32xf32>
    %reduce_sum3A = vector.shape_cast %mul3A : vector<4096x32xf32> to vector<1x4096x32xf32>
    %reduce_sum3A_8 = arith.constant dense<0.000000e+00> : vector<1xf32>
    %reduce_sum3A_9 = vector.multi_reduction <add>, %reduce_sum3A, %reduce_sum3A_8 [1, 2] : vector<1x4096x32xf32> to vector<1xf32>
    %reduce_sum3A_10 = vector.shape_cast %reduce_sum3A_9 : vector<1xf32> to vector<1x1x1xf32>
    %reduce_sum3A_11 = vector.extract %reduce_sum3A_10[0, 0, 0] : f32 from vector<1x1x1xf32>
    %div3A = arith.constant 1.310720e+05 : f32
    %div3A_12 = arith.divf %reduce_sum3A_11, %div3A : f32
    %mul3A_13 = arith.constant 2.500000e-01 : f32
    %mul3A_14 = arith.mulf %mul3A_13, %div3A_12 : f32
    %add3A_15 = arith.addf %mul3A_14, %div3A_12 : f32
    %broadcast_in_dim3A = vector.broadcast %add3A_15 : f32 to vector<1x1xf32>
    %swap3A_16 = arith.constant 0 : index
    %swap3A_17 = arith.constant 0 : index
    %swap3A_18 = vector.load %arg3[%swap3A_16, %swap3A_17] : memref<1x1xf32, #tpu.memory_space<vmem>>, vector<1x1xf32>
    tpu.vector_store %arg3[%swap3A_16, %swap3A_17], %broadcast_in_dim3A {strides = array<i32>} : memref<1x1xf32, #tpu.memory_space<vmem>>, vector<1x1xf32>,
    return
  }
}

</mosaic_0001>

<sc_bundles>
// kernel: kernel.5.cloned.1.call-start
scs
__scs_entry_jumppad:
0x0: {  	(pc) =	sbr.rel $0x88, $3  }
0x1: {  	(tag) =	ssettag $0x0;
	lr =	simm.s32 $0x1  }
0x2: {  	[smem:$0x3F9F] =	sst lr;
	_ =	strace $0xD0000000  }
0x3: {  	_ = 	snop  }
0x4: {  	_ = 	snop  }
0x5: {  	_ = 	snop  }
0x6: {  	_ = 	snop  }
0x7: {  	_ = 	snop  }
__scs_overlays_trampoline_lowered:
0x8: {  	[smem:$0x3FAE] =	sst s0  }
0x9: {  	[smem:$0x3FAF] =	sst s1  }
0xa: {  	[smem:$0x3FB0] =	sst s2  }
0xb: {  	[smem:$0x3FB1] =	sst s3  }
0xc: {  	[smem:$0x3FB2] =	sst s4  }
0xd: {  	[smem:$0x3FB3] =	sst s5  }
0xe: {  	[smem:$0x3FB4] =	sst s6  }
0xf: {  	[smem:$0x3FB5] =	sst s7  }
0x10: {  	[smem:$0x3FB6] =	sst s8  }
0x11: {  	[smem:$0x3FB7] =	sst s9;
	s0 =	simm.s32 @!p0 $0x0  }
0x12: {  	s1 =	sld [smem:$0x3F9D];
	s0 =	simm.s32 @p0 $0x1  }
0x13: {  	[smem:$0x3FB8] =	sst s0;
	s0 =	simm.s32 @!p1 $0x0  }
0x14: {  	s2 =	sld [smem:$0x3F9C];
	s0 =	simm.s32 @p1 $0x1  }
0x15: {  	[smem:$0x3FB9] =	sst s0;
	s0 =	simm.s32 @!p2 $0x0  }
0x16: {  	s3 =	sld [smem:$0x3FDB];
	s0 =	simm.s32 @p2 $0x1  }
0x17: {  	s4 =	simm.s32 $0x1BF5;
	[smem:$0x3FBB] =	sst s0  }
0x18: {  	s0 =	sld [smem:$0x3F9E];
	_ =	swait.ge [sflag:s4], $0x0  }
0x19: {  	s7 =	sld [smem:$0x3F9F]  }
0x1a: {  	s8 =	sadd.s32 $0xFFFFE003, lr  }
0x1b: {  	s9 =	sadd.s32 $0xFFFFFEF7, lr;
	s5 =	simm.s32 $0xFFFFFFFF;
	p2 =	slt.u32 s8, $0xFFFFF086  }
0x1c: {  	p1 =	slt.u32 s9, $0xF7A;
	s5 =	simm.s32 @!p2 $0x0  }
0x1d: {  	s5 =	simm.s32 @p1 $0x1;
	p0 =	seq.s32 s7, s2  }
0x1e: {  	s7 =	smul.u32 @!p0 $0xF7A, s2;
	p2 =	seq.s32 @!p0 s5, $0x0  }
0x1f: {  	s9 =	smul.u32 $0xF7A, s1;
	s8 =	simm.s32 @!p0 $0x1BF5;
	p2 =	por !p2, p0  }
0x20: {  	[sflag:s8] =	ssyncset.s32 @!p0 $0xFFFFF086;
	s6 =	sadd.s32 @!p0 s3, s7;
	s7 =	simm.s32 @!p0 $0x108  }
0x21: {  	s3 =	sadd.s32 s3, s9;
	s6 =	sadd.s32 @!p0 $0x88, s6;
	s7 =	simm.s32 @p2 $0x1082  }
0x22: {  	[simem:s7], [sflag:s8] =	dma.local @!p0 [hbm:s6], $0xF7A  }
0x23: {  	s9 =	sor.u32 $0xD0000000, s2;
	s6 =	simm.s32 $0x108;
	_ =	swait.ge @!p0 [sflag:s8], $0x0  }
0x24: {  	s3 =	sadd.s32 $0x88, s3;
	s6 =	simm.s32 @!p1 $0x1082;
	[sflag:s4] =	ssyncset.s32 $0xFFFFF086  }
0x25: {  	[simem:s6], [sflag:s4] =	dma.local [hbm:s3], $0xF7A  }
0x26: {  	[smem:$0x3F9F] =	sst s1;
	(tag) =	ssettag s2;
	_ =	strace s9  }
0x27: {  	s1 =	sld [smem:$0x3FAF]  }
0x28: {  	s2 =	sld [smem:$0x3FB0]  }
0x29: {  	s4 =	sld [smem:$0x3FB2]  }
0x2a: {  	p0 =	seq.s32 s5, $0x0;
	s5 =	sld [smem:$0x3FB3]  }
0x2b: {  	s6 =	sld [smem:$0x3FB4]  }
0x2c: {  	s7 =	sld [smem:$0x3FB5]  }
0x2d: {  	s3 =	simm.s32 $0x108;
	s8 =	sld [smem:$0x3FB6]  }
0x2e: {  	s3 =	simm.s32 @!p0 $0x1082;
	s9 =	sld [smem:$0x3FB7]  }
0x2f: {  	lr =	sadd.s32 s0, s3;
	s0 =	sld [smem:$0x3FAE]  }
0x30: {  	s3 =	sld [smem:$0x3FB1]  }
0x31: {  	[smem:$0x3FBA] =	sst s10  }
0x32: {  	s10 =	sld [smem:$0x3FB8];
	_ =	sdelay $0x3  }
0x33: {  	p0 =	seq.s32 s10, $0x1;
	s10 =	sld [smem:$0x3FBA];
	_ =	sdelay $0x3  }
0x34: {  	[smem:$0x3FBA] =	sst s10  }
0x35: {  	s10 =	sld [smem:$0x3FB9];
	_ =	sdelay $0x3  }
0x36: {  	p1 =	seq.s32 s10, $0x1;
	s10 =	sld [smem:$0x3FBA];
	_ =	sdelay $0x3  }
0x37: {  	[smem:$0x3FBA] =	sst s10  }
0x38: {  	s10 =	sld [smem:$0x3FBB]  }
0x39: {  	_ = 	snop;
	(pc) =	sbr.ind lr, $3  }
0x3a: {  	_ = 	snop  }
0x3b: {  	_ = 	snop  }
0x3c: {  	p2 =	seq.s32 s10, $0x1;
	s10 =	sld [smem:$0x3FBA]  }
0x3d: {  	_ =	shalt  }
0x3e: {  	_ =	shalt  }
0x3f: {  	_ =	shalt  }
0x40: {  	_ =	shalt  }
0x41: {  	_ =	shalt  }
0x42: {  	_ =	shalt  }
0x43: {  	_ =	shalt  }
0x44: {  	_ =	shalt  }
0x45: {  	_ =	shalt  }
0x46: {  	_ =	shalt  }
0x47: {  	_ =	shalt  }
0x48: {  	_ =	shalt  }
0x49: {  	_ =	shalt  }
0x4a: {  	_ =	shalt  }
0x4b: {  	_ =	shalt  }
0x4c: {  	_ =	shalt  }
0x4d: {  	_ =	shalt  }
0x4e: {  	_ =	shalt  }
0x4f: {  	_ =	shalt  }
0x50: {  	_ =	shalt  }
0x51: {  	_ =	shalt  }
0x52: {  	_ =	shalt  }
0x53: {  	_ =	shalt  }
0x54: {  	_ =	shalt  }
0x55: {  	_ =	shalt  }
0x56: {  	_ =	shalt  }
0x57: {  	_ =	shalt  }
0x58: {  	_ =	shalt  }
0x59: {  	_ =	shalt  }
0x5a: {  	_ =	shalt  }
0x5b: {  	_ =	shalt  }
0x5c: {  	_ =	shalt  }
0x5d: {  	_ =	shalt  }
0x5e: {  	_ =	shalt  }
0x5f: {  	_ =	shalt  }
0x60: {  	_ =	shalt  }
0x61: {  	_ =	shalt  }
0x62: {  	_ =	shalt  }
0x63: {  	_ =	shalt  }
0x64: {  	_ =	shalt  }
0x65: {  	_ =	shalt  }
0x66: {  	_ =	shalt  }
0x67: {  	_ =	shalt  }
0x68: {  	_ =	shalt  }
0x69: {  	_ =	shalt  }
0x6a: {  	_ =	shalt  }
0x6b: {  	_ =	shalt  }
0x6c: {  	_ =	shalt  }
0x6d: {  	_ =	shalt  }
0x6e: {  	_ =	shalt  }
0x6f: {  	_ =	shalt  }
0x70: {  	_ =	shalt  }
0x71: {  	_ =	shalt  }
0x72: {  	_ =	shalt  }
0x73: {  	_ =	shalt  }
0x74: {  	_ =	shalt  }
0x75: {  	_ =	shalt  }
0x76: {  	_ =	shalt  }
0x77: {  	_ =	shalt  }
0x78: {  	_ =	shalt  }
0x79: {  	_ =	shalt  }
0x7a: {  	_ =	shalt  }
0x7b: {  	_ =	shalt  }
0x7c: {  	_ =	shalt  }
0x7d: {  	_ =	shalt  }
0x7e: {  	_ =	shalt  }
0x7f: {  	_ =	shalt  }
0x80: {  	_ =	shalt  }
0x81: {  	_ =	shalt  }
0x82: {  	_ =	shalt  }
0x83: {  	_ =	shalt  }
0x84: {  	_ =	shalt  }
0x85: {  	_ =	shalt  }
0x86: {  	_ =	shalt  }
0x87: {  	_ =	shalt  }
.Lfunc_end0:
.L_simem_size_0:
called_computation_lowered:
.L_overlay_start_0:
0x88: {  	s2 =	sld [smem:$0x3FD9]  }
0x89: {  	s3 =	sld [smem:$0x3FFE];
	_ =	sdelay $0x1  }
0x8a: {  	s1 =	srdreg.scid  }
0x8b: {  	s0 =	sand.u32 $0x1, s1  }
0x8c: {  	s14 =	sshll.u32 s0, $0xA;
	s2 =	sadd.s32 s3, s2  }
0x8d: {  	s2 =	sadd.s32 s2, s14  }
0x8e: {  	[smem:$0x3FC6] =	sst s2  }
0x8f: {  	_ = 	snop  }
0x90: {  	s2 =	sld [smem:$0x3FD0];
	_ =	sdelay $0x2  }
0x91: {  	s15 =	simm.s32 $0xA;
	s4 =	simm.s32 $0x10  }
0x92: {  	[smem:s4], [sflag:s15] =	dma.local [hbm:s2], $0x1  }
0x93: {  	_ =	swait.eq [sflag:s15], $0x1  }
0x94: {  	[sflag:s15] =	ssyncset.done $0x0  }
0x95: {  	[sflag:s15] =	ssyncadd.s32 $0xFFFFFFFF  }
0x96: {  	s16 =	sld [smem:$0x12];
	(tm) =	ssettm $0x1  }
0x97: {  	s17 =	sld [smem:$0x3FFB];
	_ =	sdelay $0x3  }
0x98: {  	_ =	strace s17  }
0x99: {  	s3 =	sld [smem:$0x3FFC];
	_ =	sdelay $0x3  }
0x9a: {  	_ =	strace s3  }
0x9b: {  	s3 =	sld [smem:$0x3FFD];
	_ =	sdelay $0x3  }
0x9c: {  	_ =	strace s3  }
0x9d: {  	_ =	strace $0x8FFFFFFF  }
0x9e: {  	s18 =	sld [smem:$0x3FDB];
	_ =	sdelay $0x1  }
0x9f: {  	s19 =	simm.s32 $_scs_section_size  }
0xa0: {  	s5 =	simm.s32 $_size__tile_overlayer_lowered;
	s6 =	simm.s32 $_tile_overlayer_lowered  }
0xa1: {  	s22 =	simm.s32 $0x1BFF;
	s21 =	sshll.u32 s6, $0x1;
	s3 =	sadd.s32 s19, s18  }
0xa2: {  	s7 =	simm.s32 $0x0;
	s20 =	sshll.u32 s5, $0x1;
	s5 =	sadd.s32 s21, s3  }
0xa3: {  	[timem:s7], [sflag:s22] =	dma.local [hbm:s5], s20  }
0xa4: {  	_ =	swait.ge [sflag:s22], s20  }
0xa5: {  	s4 =	ssub.s32 $0x0, s20;
	[sflag:s22] =	ssyncset.done $0x0  }
0xa6: {  	[sflag:s22] =	ssyncadd.s32 s4;
	_ =	sdelay $0x1  }
0xa7: {  	s23 =	simm.s32 $0x1B8B  }
0xa8: {  	_ =	swait.ge [sflag:s23], $0x1  }
0xa9: {  	[sflag:s23] =	ssyncset.done $0x0  }
0xaa: {  	s25 =	simm.s32 $0x1B8E;
	s24 =	sld [smem:$0x3FFE];
	[sflag:s23] =	ssyncadd.s32 $0xFFFFFFFF  }
0xab: {  	s26 =	simm.s32 $execute0_lowered;
	[smem:$0x3FD2] =	sst s25  }
0xac: {  	s5 =	sshll.u32 s26, $0x1;
	_ =	strace $0x80000046;
	[dreg:$0x1] =	wrdreg $0xFFFFFFFF  }
0xad: {  	s28 =	simm.s32 $_size_execute0_lowered;
	s3 =	sadd.s32 s3, s5;
	[dreg:$0x0] =	wrdreg $0x0  }
0xae: {  	s5 =	sshll.u32 s28, $0x1;
	[dreg:$0x2] =	wrdreg s3  }
0xaf: {  	[dreg:$0x3] =	wrdreg s5  }
0xb0: {  	[dreg:$0x4] =	wrdreg $0xC0  }
0xb1: {  	_ =	task [dreg:s7], $0x5FFFF  }
0xb2: {  	[dreg:$0x1] =	wrdreg $0xFFFFFFFF  }
0xb3: {  	[dreg:$0x0] =	wrdreg $0x60  }
0xb4: {  	[dreg:$0x2] =	wrdreg s24  }
0xb5: {  	[dreg:$0x3] =	wrdreg s16  }
0xb6: {  	[dreg:$0x4] =	wrdreg $0x9  }
0xb7: {  	_ =	task.clear_ibuf [dreg:s7], $0x5FFFF;
	_ =	strace $0x90000046  }
0xb8: {  	s29 =	simm.s32 $0x9;
	_ =	strace $0x8000004D  }
0xb9: {  	_ =	swait.ge [sflag:s29], $0x1  }
0xba: {  	[sflag:s29] =	ssyncadd.s32 $0xFFFFFFFF  }
0xbb: {  	_ =	strace $0x9000004D  }
0xbc: {  	_ =	sfence  }
0xbd: {  	s30 =	sld [smem:$0x0];
	_ =	sdelay $0x2  }
0xbe: {  	s31 =	sshll.u32 s1, $0xD;
	s1 =	sshrl.u32 s1, $0x2  }
0xbf: {  	s3 =	sand.u32 $0x4000, s31;
	s1 =	sadd.s32 s1, s30  }
0xc0: {  	s0 =	sor.u32 s3, s0;
	s1 =	sshll.u32 s1, $0x11  }
0xc1: {  	s0 =	sor.u32 s1, s0  }
0xc2: {  	s0 =	sadd.s32 $0x8F2B, s0  }
0xc3: {  	[sflag:s0] =	ssyncadd.remote.s32 $0x1  }
0xc4: {  	_ =	sfence.sel $0xFFFF  }
0xc5: {  	[dreg:$0x0] =	wrdreg $0xFFFFFFFF;
	(pc) =	sbr.abs _section_cstart, $3  }
0xc6: {  	[dreg:$0x1] =	wrdreg $0xFFFFFFFF  }
0xc7: {  	_ =	task.clear_ibuf [dreg:s7], $0x2FFFF;
	_ =	strace $0x9FFFFFFF  }
0xc8: {  	(tm) =	ssettm $0x7FFFFFFF  }
0xc9: {  	_ =	shalt  }
tec
execute0_lowered:
.L_overlay_start_1:
0x0: {  	(tag) =	ssettag $0x1  }
0x1: {  	s2 =	rddreg [dreg:$0x0];
	s3 =	srdreg.scid  }
0x2: {  	s4 =	rddreg [dreg:$0x1];
	s1 =	stileid.u32;
	s9 =	sand.u32 $0x1, s3  }
0x3: {  	s3 =	simm.s32 $0x0;
	s6 =	sshll.u32 s1, $0x7;
	s5 =	sshll.u32 s9, $0xB  }
0x4: {  	[smem:$0x7FF] =	sst s3;
	s10 =	sor.u32 s6, s5  }
0x5: {  	s0 =	rddreg [dreg:$0x2];
	_ =	strace $0x80000047;
	s5 =	sshrl.u32 s10, $0x3  }
0x6: {  	_ =	strace $0x80000048;
	s4 =	sadd.s32 s4, s5  }
0x7: {  	[tilespmem:s3], [sflag:$0x1] =	stream.linear.gather [hbm4b:s4+s3], $0x80, $0x200038;
	[tilespmem:$0x8100] =	vst v63  }
0x8: {  	_ =	strace $0x90000048  }
0x9: {  	s5 =	simm.s32 $0x1;
	_ =	strace $0x80000049  }
0xa: {  	_ =	swait.ge [sflag:s5], $0x80  }
0xb: {  	[sflag:s5] =	ssyncset.done $0x0  }
0xc: {  	[sflag:s5] =	ssyncadd.s32 $0xFFFFFF80  }
0xd: {  	s7 =	simm.s32 $0x100;
	_ =	strace $0x90000049  }
0xe: {  	s8 =	simm.s32 $0x5;
	s6 =	simm.s32 $0x80;
	_ =	strace $0x8000004A  }
0xf: {  	[tilespmem:s7], [sflag:$0x5] =	stream.indirect.gather [hbm4b:s2+s6], $0x80, s3, s6, $0x2000b8;
	[tilespmem:$0x8100] =	vst v63  }
0x10: {  	s11 =	ssub.s32 $0x2, s9;
	_ =	swait.ge [sflag:s8], $0x4000  }
0x11: {  	s31 =	sshrl.u32 s11, $0x1;
	[sflag:s8] =	ssyncset.done $0x0  }
0x12: {  	s10 =	sshll.u32 s10, $0x4;
	s11 =	ssub.s32 s11, s31;
	[sflag:s8] =	ssyncadd.s32 $0xFFFFC000  }
0x13: {  	s10 =	sadd.s32 s10, s2;
	s11 =	smax.u32 s11, $0x1;
	_ =	strace $0x9000004A  }
0x14: {  	s9 =	sadd.s32 $0x20000, s10;
	p0 =	sne.s32 s11, $0x1;
	_ =	strace $0x8000004B  }
0x15: {  	[hbm4b:s9+s3] =	stream.linear.scatter [tilespmem:s7], [sflag:$0x3], $0x4000, $0x200038;
	[tilespmem:$0x8100] =	vst v63  }
.Ltmp0:
0x16: {  	_ =	strace $0x9000004B;
	(pc) =	sbr.rel @!p0 .LBB2_2-.Ltmp0, $4  }
0x17: {  	s10 =	simm.s32 $0x3;
	_ =	strace $0x8000004C  }
0x18: {  	_ =	swait.ge [sflag:s10], $0x4000  }
0x19: {  	[sflag:s10] =	ssyncset.done $0x0  }
0x1a: {  	s11 =	sadd.s32 $0xFFFFFFFF, s11;
	[sflag:s10] =	ssyncadd.s32 $0xFFFFC000  }
.LBB2_1:
0x1b: {  	p0 =	sne.s32 s11, $0x1;
	s11 =	sadd.s32 $0xFFFFFFFF, s11;
	_ =	strace $0x9000004C  }
0x1c: {  	_ =	strace $0x80000048  }
0x1d: {  	[tilespmem:s3], [sflag:$0x1] =	stream.linear.gather [hbm4b:s4+s3], $0x80, $0x200038;
	[tilespmem:$0x8100] =	vst v63  }
0x1e: {  	_ =	strace $0x90000048  }
0x1f: {  	_ =	strace $0x80000049  }
0x20: {  	_ =	swait.ge [sflag:s5], $0x80  }
0x21: {  	[sflag:s5] =	ssyncset.done $0x0  }
0x22: {  	[sflag:s5] =	ssyncadd.s32 $0xFFFFFF80  }
0x23: {  	_ =	strace $0x90000049  }
0x24: {  	_ =	strace $0x8000004A  }
0x25: {  	[tilespmem:s7], [sflag:$0x5] =	stream.indirect.gather [hbm4b:s2+s6], $0x80, s3, s6, $0x2000b8;
	[tilespmem:$0x8100] =	vst v63  }
0x26: {  	_ =	swait.ge [sflag:s8], $0x4000  }
0x27: {  	[sflag:s8] =	ssyncset.done $0x0  }
0x28: {  	[sflag:s8] =	ssyncadd.s32 $0xFFFFC000  }
0x29: {  	_ =	strace $0x9000004A  }
0x2a: {  	_ =	strace $0x8000004B  }
0x2b: {  	[hbm4b:s9+s3] =	stream.linear.scatter [tilespmem:s7], [sflag:$0x3], $0x4000, $0x200038;
	[tilespmem:$0x8100] =	vst v63  }
.Ltmp1:
0x2c: {  	_ =	strace $0x9000004B;
	(pc) =	sbr.rel @p0 .LBB2_1-.Ltmp1, $4  }
0x2d: {  	_ =	strace $0x8000004C  }
0x2e: {  	_ =	swait.ge [sflag:s10], $0x4000  }
0x2f: {  	[sflag:s10] =	ssyncset.done $0x0  }
0x30: {  	[sflag:s10] =	ssyncadd.s32 $0xFFFFC000  }
.LBB2_2:
0x31: {  	_ =	strace $0x9000004C  }
0x32: {  	_ =	sfence.sel $0x180000  }
0x33: {  	[bflag:$0x0] =	sbarrier.arrive $0xFFFF  }
0x34: {  	p0 =	sne.s32 s1, $0x0;
	_ =	strace $0x90000047  }
0x35: {  	s0 =	sadd.s32 @!p0 $0x100000, s0;
	[bflag:$0x2] =	sbarrier.arrive $0xFFFF  }
0x36: {  	[sflag:s0] =	ssyncadd.tile.s32 @!p0 $0x1;
	_ =	shalt  }
.Lfunc_end2:
_tile_overlayer_lowered:
.L_overlay_start_2:
0x37: {  	(tag) =	ssettag $0x2  }
0x38: {  	s0 =	rddreg [dreg:$0x0];
	s2 =	stileid.u32  }
0x39: {  	s1 =	rddreg [dreg:$0x1];
	p0 =	sne.s32 s2, $0x0  }
0x3a: {  	s3 =	rddreg [dreg:$0x2];
	[bflag:$0x3] =	sbarrier.arrive $0xFFFF;
	s2 =	simm.s32 @!p0 $0x1C01  }
0x3b: {  	[timem:s3], [sflag:s2] =	dma.local @!p0 [hbm:s0], s1  }
0x3c: {  	s0 =	simm.s32 @!p0 $0x1  }
0x3d: {  	_ =	swait.ge @!p0 [sflag:s0], s1  }
0x3e: {  	s1 =	ssub.s32 @!p0 $0x0, s1;
	[sflag:s0] =	ssyncset.done @!p0 $0x0  }
0x3f: {  	[sflag:s0] =	ssyncadd.s32 @!p0 s1  }
0x40: {  	[bflag:$0x3] =	sbarrier.arrive $0xFFFF  }
0x41: {  	_ =	shalt  }

</sc_bundles>
